<compile_context>
chip_gen: v7x
topology: tpu7x:2x2x1
jax: 0.10.2.dev20260603
libtpu: 0.0.44.dev20260713+nightly
codegen_flags: <defaults>
</compile_context>

<pallas_src>
import functools

import jax
import jax.numpy as jnp
from jax import lax
from jax.experimental import pallas as pl
from jax.experimental.pallas import tpu as pltpu
from jax.experimental.pallas import tpu_sc as plsc

N_NODES = 10000
D = 128
N_EDGES = 320000

NC = 2
NS = 16

CH = 128
NCHUNK = 80
NW = NC * NS
E_PAD = NW * NCHUNK * CH
N_PAD = 10240
ROWS_PER_SUB = N_PAD // NS

_sc_mesh = plsc.VectorSubcoreMesh(core_axis_name="c", subcore_axis_name="s")


@functools.partial(
    pl.kernel,
    mesh=_sc_mesh,
    out_type=jax.ShapeDtypeStruct((NC * N_PAD, D), jnp.float32),
    scratch_types=[
        pltpu.VMEM((CH,), jnp.int32),
        pltpu.VMEM((CH,), jnp.int32),
        pltpu.VMEM((CH,), jnp.int32),
        pltpu.VMEM((CH,), jnp.int32),
        pltpu.VMEM((CH, D), jnp.float32),
        pltpu.VMEM((CH, D), jnp.float32),
        pltpu.SemaphoreType.DMA,
        pltpu.SemaphoreType.DMA,
        pltpu.VMEM_SHARED((N_PAD, D), jnp.float32),
    ],
)
def _sc_agg(table, srci, dsti, zrows, parts, srow0, drow0, srow1, drow1,
            rows0, rows1, sem0, sem1, acc_sh):
    cid = lax.axis_index("c")
    sid = lax.axis_index("s")
    wid = sid * NC + cid
    ebase = wid * (NCHUNK * CH)
    base = sid * ROWS_PER_SUB

    pltpu.sync_copy(zrows, rows0)

    @pl.loop(0, ROWS_PER_SUB, step=CH)
    def _(r):
        pltpu.sync_copy(rows0, acc_sh.at[pl.ds(base + r, CH)])

    plsc.subcore_barrier()

    pltpu.sync_copy(srci.at[pl.ds(ebase, CH)], srow0)
    pltpu.sync_copy(dsti.at[pl.ds(ebase, CH)], drow0)
    pltpu.async_copy(table.at[srow0], rows0, sem0)

    @pl.loop(0, NCHUNK, step=2)
    def _(j):
        pltpu.sync_copy(srci.at[pl.ds(ebase + (j + 1) * CH, CH)], srow1)
        pltpu.sync_copy(dsti.at[pl.ds(ebase + (j + 1) * CH, CH)], drow1)
        pltpu.async_copy(table.at[srow1], rows1, sem1)
        pltpu.make_async_copy(table.at[srow0], rows0, sem0).wait()
        pltpu.sync_copy(rows0, acc_sh.at[drow0], add=True)

        @pl.when(j + 2 < NCHUNK)
        def _():
            pltpu.sync_copy(srci.at[pl.ds(ebase + (j + 2) * CH, CH)], srow0)
            pltpu.sync_copy(dsti.at[pl.ds(ebase + (j + 2) * CH, CH)], drow0)
            pltpu.async_copy(table.at[srow0], rows0, sem0)

        pltpu.make_async_copy(table.at[srow1], rows1, sem1).wait()
        pltpu.sync_copy(rows1, acc_sh.at[drow1], add=True)

    plsc.subcore_barrier()

    @pl.loop(0, ROWS_PER_SUB, step=CH)
    def _(r):
        pltpu.sync_copy(acc_sh.at[pl.ds(base + r, CH)], rows0)
        pltpu.sync_copy(rows0, parts.at[pl.ds(cid * N_PAD + base + r, CH)])


@functools.partial(
    pl.kernel,
    mesh=_sc_mesh,
    out_type=[
        jax.ShapeDtypeStruct((NC * N_PAD, D), jnp.float32),
        jax.ShapeDtypeStruct((NC * N_PAD, D), jnp.float32),
    ],
    scratch_types=[
        pltpu.VMEM((CH,), jnp.int32),
        pltpu.VMEM((CH,), jnp.int32),
        pltpu.VMEM((CH,), jnp.int32),
        pltpu.VMEM((CH,), jnp.int32),
        pltpu.VMEM((CH, D), jnp.float32),
        pltpu.VMEM((CH, D), jnp.float32),
        pltpu.SemaphoreType.DMA,
        pltpu.SemaphoreType.DMA,
        pltpu.VMEM_SHARED((N_PAD, D), jnp.float32),
    ],
)
def _sc_agg_deg(table, srci, dsti, zrows, ones_hbm, parts, degp, srow0, drow0,
                srow1, drow1, rows0, rows1, sem0, sem1, acc_sh):
    cid = lax.axis_index("c")
    sid = lax.axis_index("s")
    wid = sid * NC + cid
    ebase = wid * (NCHUNK * CH)
    base = sid * ROWS_PER_SUB

    pltpu.sync_copy(zrows, rows0)

    @pl.loop(0, ROWS_PER_SUB, step=CH)
    def _(r):
        pltpu.sync_copy(rows0, acc_sh.at[pl.ds(base + r, CH)])

    pltpu.sync_copy(ones_hbm, rows0)
    plsc.subcore_barrier()

    @pl.loop(0, NCHUNK)
    def _(j):
        pltpu.sync_copy(dsti.at[pl.ds(ebase + j * CH, CH)], drow0)
        pltpu.sync_copy(rows0, acc_sh.at[drow0], add=True)

    plsc.subcore_barrier()

    @pl.loop(0, ROWS_PER_SUB, step=CH)
    def _(r):
        pltpu.sync_copy(acc_sh.at[pl.ds(base + r, CH)], rows0)
        pltpu.sync_copy(rows0, degp.at[pl.ds(cid * N_PAD + base + r, CH)])

    pltpu.sync_copy(zrows, rows0)

    @pl.loop(0, ROWS_PER_SUB, step=CH)
    def _(r):
        pltpu.sync_copy(rows0, acc_sh.at[pl.ds(base + r, CH)])

    plsc.subcore_barrier()

    pltpu.sync_copy(srci.at[pl.ds(ebase, CH)], srow0)
    pltpu.sync_copy(dsti.at[pl.ds(ebase, CH)], drow0)
    pltpu.async_copy(table.at[srow0], rows0, sem0)

    @pl.loop(0, NCHUNK, step=2)
    def _(j):
        pltpu.sync_copy(srci.at[pl.ds(ebase + (j + 1) * CH, CH)], srow1)
        pltpu.sync_copy(dsti.at[pl.ds(ebase + (j + 1) * CH, CH)], drow1)
        pltpu.async_copy(table.at[srow1], rows1, sem1)
        pltpu.make_async_copy(table.at[srow0], rows0, sem0).wait()
        pltpu.sync_copy(rows0, acc_sh.at[drow0], add=True)

        @pl.when(j + 2 < NCHUNK)
        def _():
            pltpu.sync_copy(srci.at[pl.ds(ebase + (j + 2) * CH, CH)], srow0)
            pltpu.sync_copy(dsti.at[pl.ds(ebase + (j + 2) * CH, CH)], drow0)
            pltpu.async_copy(table.at[srow0], rows0, sem0)

        pltpu.make_async_copy(table.at[srow1], rows1, sem1).wait()
        pltpu.sync_copy(rows1, acc_sh.at[drow1], add=True)

    plsc.subcore_barrier()

    @pl.loop(0, ROWS_PER_SUB, step=CH)
    def _(r):
        pltpu.sync_copy(acc_sh.at[pl.ds(base + r, CH)], rows0)
        pltpu.sync_copy(rows0, parts.at[pl.ds(cid * N_PAD + base + r, CH)])


BR = 512


_NB = N_PAD // BR


def _make_tc_layer(relu: bool):
    def tc_body(p0_ref, p1_ref, d0_ref, d1_ref, t_ref, wl_ref, bl_ref,
                wr_ref, o_ref):
        p = p0_ref[...] + p1_ref[...]
        deg = d0_ref[:, 0:1] + d1_ref[:, 0:1]
        mean = p / jnp.maximum(deg, 1.0)
        dn = (((1,), (1,)), ((), ()))
        acc = lax.dot_general(mean, wl_ref[...], dn,
                              precision=lax.Precision.HIGHEST,
                              preferred_element_type=jnp.float32)
        acc = acc + lax.dot_general(t_ref[...], wr_ref[...], dn,
                                    precision=lax.Precision.HIGHEST,
                                    preferred_element_type=jnp.float32)
        acc = acc + bl_ref[...]
        o_ref[...] = jnp.maximum(acc, 0.0) if relu else acc

    return pl.pallas_call(
        tc_body,
        grid=(_NB,),
        in_specs=[
            pl.BlockSpec((BR, D), lambda i: (i, 0)),
            pl.BlockSpec((BR, D), lambda i: (i + _NB, 0)),
            pl.BlockSpec((BR, D), lambda i: (i, 0)),
            pl.BlockSpec((BR, D), lambda i: (i + _NB, 0)),
            pl.BlockSpec((BR, D), lambda i: (i, 0)),
            pl.BlockSpec((D, D), lambda i: (0, 0)),
            pl.BlockSpec((1, D), lambda i: (0, 0)),
            pl.BlockSpec((D, D), lambda i: (0, 0)),
        ],
        out_specs=pl.BlockSpec((BR, D), lambda i: (i, 0)),
        out_shape=jax.ShapeDtypeStruct((N_PAD, D), jnp.float32),
    )


_tc_layer_relu = _make_tc_layer(relu=True)
_tc_layer_lin = _make_tc_layer(relu=False)


def kernel(x, edge_index, W1l, b1, W1r, W2l, b2, W2r):
    src = edge_index[0].astype(jnp.int32)
    dst = edge_index[1].astype(jnp.int32)
    npad = E_PAD - N_EDGES
    pad_dst = N_NODES + jnp.arange(npad, dtype=jnp.int32) % (N_PAD - N_NODES)
    srci = jnp.concatenate([src, jnp.zeros((npad,), jnp.int32)])
    dsti = jnp.concatenate([dst, pad_dst])

    x_pad = jnp.pad(x, ((0, N_PAD - N_NODES), (0, 0)))
    b1r = b1.reshape(1, D)
    b2r = b2.reshape(1, D)
    zrows = jnp.zeros((CH, D), jnp.float32)
    ones_hbm = jnp.ones((CH, D), jnp.float32)

    agg1, degp = _sc_agg_deg(x_pad, srci, dsti, zrows, ones_hbm)
    h = _tc_layer_relu(agg1, agg1, degp, degp, x_pad, W1l, b1r, W1r)
    agg2 = _sc_agg(h, srci, dsti, zrows)
    out = _tc_layer_lin(agg2, agg2, degp, degp, h, W2l, b2r, W2r)
    return out[:N_NODES]

# --- scband reference (transcript-rebuilt; emitter-appended) ---
"""Pipeline reference for scband-gnn-39702677684337 (READ-ONLY COPY).

The authoritative reference and input builder live on the scoring server;
editing this copy changes nothing except your own understanding.
"""

import jax, jax.numpy as jnp
import numpy as np

N_NODES = 10000
N_EDGES = 320000
D = 128

def setup_inputs(seed: int = 0) -> dict:
    key = jax.random.key(seed)
    ks = jax.random.split(key, 9)
    scale = 1.0 / np.sqrt(D)
    x = jax.random.normal(ks[0], (N_NODES, D), dtype=jnp.float32)
    edge_index = jax.random.randint(ks[1], (2, N_EDGES), 0, N_NODES, dtype=jnp.int64)
    W1l = jax.random.normal(ks[2], (D, D), dtype=jnp.float32) * scale
    b1 = jnp.zeros((D,), dtype=jnp.float32)
    W1r = jax.random.normal(ks[3], (D, D), dtype=jnp.float32) * scale
    W2l = jax.random.normal(ks[4], (D, D), dtype=jnp.float32) * scale
    b2 = jnp.zeros((D,), dtype=jnp.float32)
    W2r = jax.random.normal(ks[5], (D, D), dtype=jnp.float32) * scale
    return {"x": x, "edge_index": edge_index, "W1l": W1l, "b1": b1, "W1r": W1r, "W2l": W2l, "b2": b2, "W2r": W2r}

def _sage_conv(x, edge_index, Wl, bl, Wr):
    # PyG SAGEConv with aggr='mean': out = lin_l(mean_{j in N(i)} x_j) + lin_r(x_i)
    src = edge_index[0]
    dst = edge_index[1]
    msgs = jnp.take(x, src, axis=0)  # gather source node features per edge
    agg = jax.ops.segment_sum(msgs, dst, num_segments=x.shape[0])  # scatter-add by dst
    deg = jax.ops.segment_sum(jnp.ones((src.shape[0],), dtype=x.dtype), dst, num_segments=x.shape[0])
    mean = agg / jnp.clip(deg, 1.0)[:, None]
    return mean @ Wl.T + bl + x @ Wr.T

def reference(x, edge_index, W1l, b1, W1r, W2l, b2, W2r):
    h = _sage_conv(x, edge_index, W1l, b1, W1r)
    h = jax.nn.relu(h)
    out = _sage_conv(h, edge_index, W2l, b2, W2r)
    return out

if __name__ == "__main__":
    import jax
    _d = setup_inputs()
    print(jax.jit(kernel)(*tuple(_d.values())))

</pallas_src>

<mosaic_0001>
#map = affine_map<(d0, d1) -> (0, 0)>
#map1 = affine_map<(d0, d1) -> (0)>
module attributes {stable_mosaic.version = 14 : i64} {
  func.func @_sc_agg(%arg0: i32, %arg1: i32, %arg2: memref<10240x128xf32, #tpu.memory_space<hbm>>, %arg3: memref<327680xi32, #tpu.memory_space<hbm>>, %arg4: memref<327680xi32, #tpu.memory_space<hbm>>, %arg5: memref<128x128xf32, #tpu.memory_space<hbm>>, %arg6: memref<20480x128xf32, #tpu.memory_space<hbm>>, %arg7: memref<128xi32, #tpu.memory_space<vmem>>, %arg8: memref<128xi32, #tpu.memory_space<vmem>>, %arg9: memref<128xi32, #tpu.memory_space<vmem>>, %arg10: memref<128xi32, #tpu.memory_space<vmem>>, %arg11: memref<128x128xf32, #tpu.memory_space<vmem>>, %arg12: memref<128x128xf32, #tpu.memory_space<vmem>>, %arg13: memref<!tpu.dma_semaphore, #tpu.memory_space<semaphore_mem>>, %arg14: memref<!tpu.dma_semaphore, #tpu.memory_space<semaphore_mem>>, %arg15: memref<10240x128xf32, #tpu.memory_space<vmem_shared>>) attributes {dimension_semantics = [#tpu.dimension_semantics<core_parallel>, #tpu.dimension_semantics<subcore_parallel>], iteration_bounds = array<i64: 2, 16>, scalar_prefetch = 0 : i64, scratch_operands = 9 : i64, tpu.core_type = #tpu.core_type<sc_vector_subcore>, window_params = [{transform_indices = #map}, {transform_indices = #map1}, {transform_indices = #map1}, {transform_indices = #map}, {transform_indices = #map}]} {
    %mul3A = arith.constant 2 : i32
    %mul3A_0 = arith.muli %arg1, %mul3A : i32
    %add3A = arith.addi %mul3A_0, %arg0 : i32
    %mul3A_1 = arith.constant 10240 : i32
    %mul3A_2 = arith.muli %add3A, %mul3A_1 : i32
    %mul3A_3 = arith.constant 640 : i32
    %mul3A_4 = arith.muli %arg1, %mul3A_3 : i32
    "tpu.region"() ({
      %run_scoped3A = tpu.sem_alloc : memref<!tpu.dma_semaphore, #tpu.memory_space<semaphore_mem>>
      tpu.enqueue_dma source(%arg5 : memref<128x128xf32, #tpu.memory_space<hbm>>) target(%arg11 : memref<128x128xf32, #tpu.memory_space<vmem>>) target_semaphore(%run_scoped3A : memref<!tpu.dma_semaphore, #tpu.memory_space<semaphore_mem>>)
      tpu.wait_dma2 semaphore(%run_scoped3A : memref<!tpu.dma_semaphore, #tpu.memory_space<semaphore_mem>>) src(%arg5 : memref<128x128xf32, #tpu.memory_space<hbm>>) dst(%arg11 : memref<128x128xf32, #tpu.memory_space<vmem>>)
      tpu.yield
    }) : () -> ()
    %scan3A = arith.constant 0 : i32
    %scan3A_5 = arith.constant 5 : i32
    %scan3A_6 = arith.addi %scan3A, %scan3A_5 : i32
    %scan3A_7 = arith.constant 1 : i32
    scf.for %scan3A_22 = %scan3A to %scan3A_6 step %scan3A_7  : i32 {
      %mul3A_23 = arith.constant 128 : i32
      %mul3A_24 = arith.muli %scan3A_22, %mul3A_23 : i32
      %add3A_25 = arith.constant 0 : i32
      %add3A_26 = arith.addi %add3A_25, %mul3A_24 : i32
      %add3A_27 = arith.addi %mul3A_4, %add3A_26 : i32
      "tpu.region"() ({
        %run_scoped3A = tpu.sem_alloc : memref<!tpu.dma_semaphore, #tpu.memory_space<semaphore_mem>>
        %dma_start3A_28 = arith.constant 0 : i32
        %dma_start3A_29 = tpu.memref_slice %arg15[%add3A_27, %dma_start3A_28] : memref<10240x128xf32, #tpu.memory_space<vmem_shared>> -> memref<128x128xf32, #tpu.memory_space<vmem_shared>>
        %dma_start3A_30 = arith.constant 0 : i32
        %dma_start3A_31 = tpu.memref_slice %arg15[%add3A_27, %dma_start3A_30] : memref<10240x128xf32, #tpu.memory_space<vmem_shared>> -> memref<128x128xf32, #tpu.memory_space<vmem_shared>>
        tpu.enqueue_dma source(%arg11 : memref<128x128xf32, #tpu.memory_space<vmem>>) target(%dma_start3A_31 : memref<128x128xf32, #tpu.memory_space<vmem_shared>>) target_semaphore(%run_scoped3A : memref<!tpu.dma_semaphore, #tpu.memory_space<semaphore_mem>>)
        %dma_wait3A = arith.constant 0 : i32
        %dma_wait3A_32 = tpu.memref_slice %arg15[%add3A_27, %dma_wait3A] : memref<10240x128xf32, #tpu.memory_space<vmem_shared>> -> memref<128x128xf32, #tpu.memory_space<vmem_shared>>
        %dma_wait3A_33 = arith.constant 0 : i32
        %dma_wait3A_34 = tpu.memref_slice %arg15[%add3A_27, %dma_wait3A_33] : memref<10240x128xf32, #tpu.memory_space<vmem_shared>> -> memref<128x128xf32, #tpu.memory_space<vmem_shared>>
        tpu.wait_dma2 semaphore(%run_scoped3A : memref<!tpu.dma_semaphore, #tpu.memory_space<semaphore_mem>>) src(%arg11 : memref<128x128xf32, #tpu.memory_space<vmem>>) dst(%dma_wait3A_34 : memref<128x128xf32, #tpu.memory_space<vmem_shared>>)
        tpu.yield
      }) : () -> ()
    }
    %scan3A_8 = arith.constant 5 : i32
    %barrier3A = arith.constant 0 : index
    tpu.barrier barrier_id(%barrier3A)
    "tpu.region"() ({
      %run_scoped3A = tpu.sem_alloc : memref<!tpu.dma_semaphore, #tpu.memory_space<semaphore_mem>>
      %dma_start3A_22 = tpu.memref_slice %arg3[%mul3A_2] : memref<327680xi32, #tpu.memory_space<hbm>> -> memref<128xi32, #tpu.memory_space<hbm>>
      %dma_start3A_23 = tpu.memref_slice %arg3[%mul3A_2] : memref<327680xi32, #tpu.memory_space<hbm>> -> memref<128xi32, #tpu.memory_space<hbm>>
      tpu.enqueue_dma source(%dma_start3A_23 : memref<128xi32, #tpu.memory_space<hbm>>) target(%arg7 : memref<128xi32, #tpu.memory_space<vmem>>) target_semaphore(%run_scoped3A : memref<!tpu.dma_semaphore, #tpu.memory_space<semaphore_mem>>)
      %dma_wait3A = tpu.memref_slice %arg3[%mul3A_2] : memref<327680xi32, #tpu.memory_space<hbm>> -> memref<128xi32, #tpu.memory_space<hbm>>
      %dma_wait3A_24 = tpu.memref_slice %arg3[%mul3A_2] : memref<327680xi32, #tpu.memory_space<hbm>> -> memref<128xi32, #tpu.memory_space<hbm>>
      tpu.wait_dma2 semaphore(%run_scoped3A : memref<!tpu.dma_semaphore, #tpu.memory_space<semaphore_mem>>) src(%dma_wait3A_24 : memref<128xi32, #tpu.memory_space<hbm>>) dst(%arg7 : memref<128xi32, #tpu.memory_space<vmem>>)
      tpu.yield
    }) : () -> ()
    "tpu.region"() ({
      %run_scoped3A = tpu.sem_alloc : memref<!tpu.dma_semaphore, #tpu.memory_space<semaphore_mem>>
      %dma_start3A_22 = tpu.memref_slice %arg4[%mul3A_2] : memref<327680xi32, #tpu.memory_space<hbm>> -> memref<128xi32, #tpu.memory_space<hbm>>
      %dma_start3A_23 = tpu.memref_slice %arg4[%mul3A_2] : memref<327680xi32, #tpu.memory_space<hbm>> -> memref<128xi32, #tpu.memory_space<hbm>>
      tpu.enqueue_dma source(%dma_start3A_23 : memref<128xi32, #tpu.memory_space<hbm>>) target(%arg8 : memref<128xi32, #tpu.memory_space<vmem>>) target_semaphore(%run_scoped3A : memref<!tpu.dma_semaphore, #tpu.memory_space<semaphore_mem>>)
      %dma_wait3A = tpu.memref_slice %arg4[%mul3A_2] : memref<327680xi32, #tpu.memory_space<hbm>> -> memref<128xi32, #tpu.memory_space<hbm>>
      %dma_wait3A_24 = tpu.memref_slice %arg4[%mul3A_2] : memref<327680xi32, #tpu.memory_space<hbm>> -> memref<128xi32, #tpu.memory_space<hbm>>
      tpu.wait_dma2 semaphore(%run_scoped3A : memref<!tpu.dma_semaphore, #tpu.memory_space<semaphore_mem>>) src(%dma_wait3A_24 : memref<128xi32, #tpu.memory_space<hbm>>) dst(%arg8 : memref<128xi32, #tpu.memory_space<vmem>>)
      tpu.yield
    }) : () -> ()
    %dma_start3A = arith.constant 0 : i32
    %dma_start3A_9 = arith.constant 0 : i32
    %dma_start3A_10 = tpu.memref_slice %arg2[%dma_start3A, %dma_start3A_9] : memref<10240x128xf32, #tpu.memory_space<hbm>> -> memref<10240x128xf32, #tpu.memory_space<hbm>>
    tpu.enqueue_indirect_dma source(%dma_start3A_10 : memref<10240x128xf32, #tpu.memory_space<hbm>>) target(%arg11 : memref<128x128xf32, #tpu.memory_space<vmem>>) offsets(%arg7 : memref<128xi32, #tpu.memory_space<vmem>>) semaphore(%arg13 : memref<!tpu.dma_semaphore, #tpu.memory_space<semaphore_mem>>)
    %scan3A_11 = arith.constant 0 : i32
    %scan3A_12 = arith.constant 40 : i32
    %scan3A_13 = arith.addi %scan3A_11, %scan3A_12 : i32
    %scan3A_14 = arith.constant 1 : i32
    scf.for %scan3A_22 = %scan3A_11 to %scan3A_13 step %scan3A_14  : i32 {
      %mul3A_23 = arith.constant 2 : i32
      %mul3A_24 = arith.muli %scan3A_22, %mul3A_23 : i32
      %add3A_25 = arith.constant 0 : i32
      %add3A_26 = arith.addi %add3A_25, %mul3A_24 : i32
      %add3A_27 = arith.constant 1 : i32
      %add3A_28 = arith.addi %add3A_26, %add3A_27 : i32
      %mul3A_29 = arith.constant 128 : i32
      %mul3A_30 = arith.muli %add3A_28, %mul3A_29 : i32
      %add3A_31 = arith.addi %mul3A_2, %mul3A_30 : i32
      "tpu.region"() ({
        %run_scoped3A = tpu.sem_alloc : memref<!tpu.dma_semaphore, #tpu.memory_space<semaphore_mem>>
        %dma_start3A_49 = tpu.memref_slice %arg3[%add3A_31] : memref<327680xi32, #tpu.memory_space<hbm>> -> memref<128xi32, #tpu.memory_space<hbm>>
        %dma_start3A_50 = tpu.memref_slice %arg3[%add3A_31] : memref<327680xi32, #tpu.memory_space<hbm>> -> memref<128xi32, #tpu.memory_space<hbm>>
        tpu.enqueue_dma source(%dma_start3A_50 : memref<128xi32, #tpu.memory_space<hbm>>) target(%arg9 : memref<128xi32, #tpu.memory_space<vmem>>) target_semaphore(%run_scoped3A : memref<!tpu.dma_semaphore, #tpu.memory_space<semaphore_mem>>)
        %dma_wait3A_51 = tpu.memref_slice %arg3[%add3A_31] : memref<327680xi32, #tpu.memory_space<hbm>> -> memref<128xi32, #tpu.memory_space<hbm>>
        %dma_wait3A_52 = tpu.memref_slice %arg3[%add3A_31] : memref<327680xi32, #tpu.memory_space<hbm>> -> memref<128xi32, #tpu.memory_space<hbm>>
        tpu.wait_dma2 semaphore(%run_scoped3A : memref<!tpu.dma_semaphore, #tpu.memory_space<semaphore_mem>>) src(%dma_wait3A_52 : memref<128xi32, #tpu.memory_space<hbm>>) dst(%arg9 : memref<128xi32, #tpu.memory_space<vmem>>)
        tpu.yield
      }) : () -> ()
      %add3A_32 = arith.constant 1 : i32
      %add3A_33 = arith.addi %add3A_26, %add3A_32 : i32
      %mul3A_34 = arith.constant 128 : i32
      %mul3A_35 = arith.muli %add3A_33, %mul3A_34 : i32
      %add3A_36 = arith.addi %mul3A_2, %mul3A_35 : i32
      "tpu.region"() ({
        %run_scoped3A = tpu.sem_alloc : memref<!tpu.dma_semaphore, #tpu.memory_space<semaphore_mem>>
        %dma_start3A_49 = tpu.memref_slice %arg4[%add3A_36] : memref<327680xi32, #tpu.memory_space<hbm>> -> memref<128xi32, #tpu.memory_space<hbm>>
        %dma_start3A_50 = tpu.memref_slice %arg4[%add3A_36] : memref<327680xi32, #tpu.memory_space<hbm>> -> memref<128xi32, #tpu.memory_space<hbm>>
        tpu.enqueue_dma source(%dma_start3A_50 : memref<128xi32, #tpu.memory_space<hbm>>) target(%arg10 : memref<128xi32, #tpu.memory_space<vmem>>) target_semaphore(%run_scoped3A : memref<!tpu.dma_semaphore, #tpu.memory_space<semaphore_mem>>)
        %dma_wait3A_51 = tpu.memref_slice %arg4[%add3A_36] : memref<327680xi32, #tpu.memory_space<hbm>> -> memref<128xi32, #tpu.memory_space<hbm>>
        %dma_wait3A_52 = tpu.memref_slice %arg4[%add3A_36] : memref<327680xi32, #tpu.memory_space<hbm>> -> memref<128xi32, #tpu.memory_space<hbm>>
        tpu.wait_dma2 semaphore(%run_scoped3A : memref<!tpu.dma_semaphore, #tpu.memory_space<semaphore_mem>>) src(%dma_wait3A_52 : memref<128xi32, #tpu.memory_space<hbm>>) dst(%arg10 : memref<128xi32, #tpu.memory_space<vmem>>)
        tpu.yield
      }) : () -> ()
      %dma_start3A_37 = arith.constant 0 : i32
      %dma_start3A_38 = arith.constant 0 : i32
      %dma_start3A_39 = tpu.memref_slice %arg2[%dma_start3A_37, %dma_start3A_38] : memref<10240x128xf32, #tpu.memory_space<hbm>> -> memref<10240x128xf32, #tpu.memory_space<hbm>>
      tpu.enqueue_indirect_dma source(%dma_start3A_39 : memref<10240x128xf32, #tpu.memory_space<hbm>>) target(%arg12 : memref<128x128xf32, #tpu.memory_space<vmem>>) offsets(%arg9 : memref<128xi32, #tpu.memory_space<vmem>>) semaphore(%arg14 : memref<!tpu.dma_semaphore, #tpu.memory_space<semaphore_mem>>)
      %dma_wait3A = arith.constant 0 : i32
      %dma_wait3A_40 = arith.constant 0 : i32
      %dma_wait3A_41 = tpu.memref_slice %arg2[%dma_wait3A, %dma_wait3A_40] : memref<10240x128xf32, #tpu.memory_space<hbm>> -> memref<10240x128xf32, #tpu.memory_space<hbm>>
      tpu.wait_indirect_dma semaphore(%arg13 : memref<!tpu.dma_semaphore, #tpu.memory_space<semaphore_mem>>) src(%dma_wait3A_41 : memref<10240x128xf32, #tpu.memory_space<hbm>>) dst(%arg11 : memref<128x128xf32, #tpu.memory_space<vmem>>)
      "tpu.region"() ({
        %run_scoped3A = tpu.sem_alloc : memref<!tpu.dma_semaphore, #tpu.memory_space<semaphore_mem>>
        %dma_start3A_49 = arith.constant 0 : i32
        %dma_start3A_50 = arith.constant 0 : i32
        %dma_start3A_51 = tpu.memref_slice %arg15[%dma_start3A_49, %dma_start3A_50] : memref<10240x128xf32, #tpu.memory_space<vmem_shared>> -> memref<10240x128xf32, #tpu.memory_space<vmem_shared>>
        tpu.enqueue_indirect_dma source(%arg11 : memref<128x128xf32, #tpu.memory_space<vmem>>) target(%dma_start3A_51 : memref<10240x128xf32, #tpu.memory_space<vmem_shared>>) offsets(%arg8 : memref<128xi32, #tpu.memory_space<vmem>>) semaphore(%run_scoped3A : memref<!tpu.dma_semaphore, #tpu.memory_space<semaphore_mem>>) {add = true}
        %dma_wait3A_52 = arith.constant 0 : i32
        %dma_wait3A_53 = arith.constant 0 : i32
        %dma_wait3A_54 = tpu.memref_slice %arg15[%dma_wait3A_52, %dma_wait3A_53] : memref<10240x128xf32, #tpu.memory_space<vmem_shared>> -> memref<10240x128xf32, #tpu.memory_space<vmem_shared>>
        tpu.wait_indirect_dma semaphore(%run_scoped3A : memref<!tpu.dma_semaphore, #tpu.memory_space<semaphore_mem>>) src(%arg11 : memref<128x128xf32, #tpu.memory_space<vmem>>) dst(%dma_wait3A_54 : memref<10240x128xf32, #tpu.memory_space<vmem_shared>>)
        tpu.yield
      }) : () -> ()
      %add3A_42 = arith.constant 2 : i32
      %add3A_43 = arith.addi %add3A_26, %add3A_42 : i32
      %lt3A = arith.constant 80 : i32
      %lt3A_44 = arith.cmpi slt, %add3A_43, %lt3A : i32
      %convert_element_type3A = arith.extui %lt3A_44 : i1 to i32
      %cond3A = arith.constant 0 : i32
      %cond3A_45 = arith.cmpi ne, %convert_element_type3A, %cond3A : i32
      scf.if %cond3A_45 {
        %add3A_49 = arith.constant 2 : i32
        %add3A_50 = arith.addi %add3A_26, %add3A_49 : i32
        %mul3A_51 = arith.constant 128 : i32
        %mul3A_52 = arith.muli %add3A_50, %mul3A_51 : i32
        %add3A_53 = arith.addi %mul3A_2, %mul3A_52 : i32
        "tpu.region"() ({
          %run_scoped3A = tpu.sem_alloc : memref<!tpu.dma_semaphore, #tpu.memory_space<semaphore_mem>>
          %dma_start3A_62 = tpu.memref_slice %arg3[%add3A_53] : memref<327680xi32, #tpu.memory_space<hbm>> -> memref<128xi32, #tpu.memory_space<hbm>>
          %dma_start3A_63 = tpu.memref_slice %arg3[%add3A_53] : memref<327680xi32, #tpu.memory_space<hbm>> -> memref<128xi32, #tpu.memory_space<hbm>>
          tpu.enqueue_dma source(%dma_start3A_63 : memref<128xi32, #tpu.memory_space<hbm>>) target(%arg7 : memref<128xi32, #tpu.memory_space<vmem>>) target_semaphore(%run_scoped3A : memref<!tpu.dma_semaphore, #tpu.memory_space<semaphore_mem>>)
          %dma_wait3A_64 = tpu.memref_slice %arg3[%add3A_53] : memref<327680xi32, #tpu.memory_space<hbm>> -> memref<128xi32, #tpu.memory_space<hbm>>
          %dma_wait3A_65 = tpu.memref_slice %arg3[%add3A_53] : memref<327680xi32, #tpu.memory_space<hbm>> -> memref<128xi32, #tpu.memory_space<hbm>>
          tpu.wait_dma2 semaphore(%run_scoped3A : memref<!tpu.dma_semaphore, #tpu.memory_space<semaphore_mem>>) src(%dma_wait3A_65 : memref<128xi32, #tpu.memory_space<hbm>>) dst(%arg7 : memref<128xi32, #tpu.memory_space<vmem>>)
          tpu.yield
        }) : () -> ()
        %add3A_54 = arith.constant 2 : i32
        %add3A_55 = arith.addi %add3A_26, %add3A_54 : i32
        %mul3A_56 = arith.constant 128 : i32
        %mul3A_57 = arith.muli %add3A_55, %mul3A_56 : i32
        %add3A_58 = arith.addi %mul3A_2, %mul3A_57 : i32
        "tpu.region"() ({
          %run_scoped3A = tpu.sem_alloc : memref<!tpu.dma_semaphore, #tpu.memory_space<semaphore_mem>>
          %dma_start3A_62 = tpu.memref_slice %arg4[%add3A_58] : memref<327680xi32, #tpu.memory_space<hbm>> -> memref<128xi32, #tpu.memory_space<hbm>>
          %dma_start3A_63 = tpu.memref_slice %arg4[%add3A_58] : memref<327680xi32, #tpu.memory_space<hbm>> -> memref<128xi32, #tpu.memory_space<hbm>>
          tpu.enqueue_dma source(%dma_start3A_63 : memref<128xi32, #tpu.memory_space<hbm>>) target(%arg8 : memref<128xi32, #tpu.memory_space<vmem>>) target_semaphore(%run_scoped3A : memref<!tpu.dma_semaphore, #tpu.memory_space<semaphore_mem>>)
          %dma_wait3A_64 = tpu.memref_slice %arg4[%add3A_58] : memref<327680xi32, #tpu.memory_space<hbm>> -> memref<128xi32, #tpu.memory_space<hbm>>
          %dma_wait3A_65 = tpu.memref_slice %arg4[%add3A_58] : memref<327680xi32, #tpu.memory_space<hbm>> -> memref<128xi32, #tpu.memory_space<hbm>>
          tpu.wait_dma2 semaphore(%run_scoped3A : memref<!tpu.dma_semaphore, #tpu.memory_space<semaphore_mem>>) src(%dma_wait3A_65 : memref<128xi32, #tpu.memory_space<hbm>>) dst(%arg8 : memref<128xi32, #tpu.memory_space<vmem>>)
          tpu.yield
        }) : () -> ()
        %dma_start3A_59 = arith.constant 0 : i32
        %dma_start3A_60 = arith.constant 0 : i32
        %dma_start3A_61 = tpu.memref_slice %arg2[%dma_start3A_59, %dma_start3A_60] : memref<10240x128xf32, #tpu.memory_space<hbm>> -> memref<10240x128xf32, #tpu.memory_space<hbm>>
        tpu.enqueue_indirect_dma source(%dma_start3A_61 : memref<10240x128xf32, #tpu.memory_space<hbm>>) target(%arg11 : memref<128x128xf32, #tpu.memory_space<vmem>>) offsets(%arg7 : memref<128xi32, #tpu.memory_space<vmem>>) semaphore(%arg13 : memref<!tpu.dma_semaphore, #tpu.memory_space<semaphore_mem>>)
      } else {
      }
      %dma_wait3A_46 = arith.constant 0 : i32
      %dma_wait3A_47 = arith.constant 0 : i32
      %dma_wait3A_48 = tpu.memref_slice %arg2[%dma_wait3A_46, %dma_wait3A_47] : memref<10240x128xf32, #tpu.memory_space<hbm>> -> memref<10240x128xf32, #tpu.memory_space<hbm>>
      tpu.wait_indirect_dma semaphore(%arg14 : memref<!tpu.dma_semaphore, #tpu.memory_space<semaphore_mem>>) src(%dma_wait3A_48 : memref<10240x128xf32, #tpu.memory_space<hbm>>) dst(%arg12 : memref<128x128xf32, #tpu.memory_space<vmem>>)
      "tpu.region"() ({
        %run_scoped3A = tpu.sem_alloc : memref<!tpu.dma_semaphore, #tpu.memory_space<semaphore_mem>>
        %dma_start3A_49 = arith.constant 0 : i32
        %dma_start3A_50 = arith.constant 0 : i32
        %dma_start3A_51 = tpu.memref_slice %arg15[%dma_start3A_49, %dma_start3A_50] : memref<10240x128xf32, #tpu.memory_space<vmem_shared>> -> memref<10240x128xf32, #tpu.memory_space<vmem_shared>>
        tpu.enqueue_indirect_dma source(%arg12 : memref<128x128xf32, #tpu.memory_space<vmem>>) target(%dma_start3A_51 : memref<10240x128xf32, #tpu.memory_space<vmem_shared>>) offsets(%arg10 : memref<128xi32, #tpu.memory_space<vmem>>) semaphore(%run_scoped3A : memref<!tpu.dma_semaphore, #tpu.memory_space<semaphore_mem>>) {add = true}
        %dma_wait3A_52 = arith.constant 0 : i32
        %dma_wait3A_53 = arith.constant 0 : i32
        %dma_wait3A_54 = tpu.memref_slice %arg15[%dma_wait3A_52, %dma_wait3A_53] : memref<10240x128xf32, #tpu.memory_space<vmem_shared>> -> memref<10240x128xf32, #tpu.memory_space<vmem_shared>>
        tpu.wait_indirect_dma semaphore(%run_scoped3A : memref<!tpu.dma_semaphore, #tpu.memory_space<semaphore_mem>>) src(%arg12 : memref<128x128xf32, #tpu.memory_space<vmem>>) dst(%dma_wait3A_54 : memref<10240x128xf32, #tpu.memory_space<vmem_shared>>)
        tpu.yield
      }) : () -> ()
    }
    %scan3A_15 = arith.constant 40 : i32
    %barrier3A_16 = arith.constant 0 : index
    tpu.barrier barrier_id(%barrier3A_16)
    %scan3A_17 = arith.constant 0 : i32
    %scan3A_18 = arith.constant 5 : i32
    %scan3A_19 = arith.addi %scan3A_17, %scan3A_18 : i32
    %scan3A_20 = arith.constant 1 : i32
    scf.for %scan3A_22 = %scan3A_17 to %scan3A_19 step %scan3A_20  : i32 {
      %mul3A_23 = arith.constant 128 : i32
      %mul3A_24 = arith.muli %scan3A_22, %mul3A_23 : i32
      %add3A_25 = arith.constant 0 : i32
      %add3A_26 = arith.addi %add3A_25, %mul3A_24 : i32
      %add3A_27 = arith.addi %mul3A_4, %add3A_26 : i32
      "tpu.region"() ({
        %run_scoped3A = tpu.sem_alloc : memref<!tpu.dma_semaphore, #tpu.memory_space<semaphore_mem>>
        %dma_start3A_32 = arith.constant 0 : i32
        %dma_start3A_33 = tpu.memref_slice %arg15[%add3A_27, %dma_start3A_32] : memref<10240x128xf32, #tpu.memory_space<vmem_shared>> -> memref<128x128xf32, #tpu.memory_space<vmem_shared>>
        %dma_start3A_34 = arith.constant 0 : i32
        %dma_start3A_35 = tpu.memref_slice %arg15[%add3A_27, %dma_start3A_34] : memref<10240x128xf32, #tpu.memory_space<vmem_shared>> -> memref<128x128xf32, #tpu.memory_space<vmem_shared>>
        tpu.enqueue_dma source(%dma_start3A_35 : memref<128x128xf32, #tpu.memory_space<vmem_shared>>) target(%arg11 : memref<128x128xf32, #tpu.memory_space<vmem>>) target_semaphore(%run_scoped3A : memref<!tpu.dma_semaphore, #tpu.memory_space<semaphore_mem>>)
        %dma_wait3A = arith.constant 0 : i32
        %dma_wait3A_36 = tpu.memref_slice %arg15[%add3A_27, %dma_wait3A] : memref<10240x128xf32, #tpu.memory_space<vmem_shared>> -> memref<128x128xf32, #tpu.memory_space<vmem_shared>>
        %dma_wait3A_37 = arith.constant 0 : i32
        %dma_wait3A_38 = tpu.memref_slice %arg15[%add3A_27, %dma_wait3A_37] : memref<10240x128xf32, #tpu.memory_space<vmem_shared>> -> memref<128x128xf32, #tpu.memory_space<vmem_shared>>
        tpu.wait_dma2 semaphore(%run_scoped3A : memref<!tpu.dma_semaphore, #tpu.memory_space<semaphore_mem>>) src(%dma_wait3A_38 : memref<128x128xf32, #tpu.memory_space<vmem_shared>>) dst(%arg11 : memref<128x128xf32, #tpu.memory_space<vmem>>)
        tpu.yield
      }) : () -> ()
      %mul3A_28 = arith.constant 10240 : i32
      %mul3A_29 = arith.muli %arg0, %mul3A_28 : i32
      %add3A_30 = arith.addi %mul3A_29, %mul3A_4 : i32
      %add3A_31 = arith.addi %add3A_30, %add3A_26 : i32
      "tpu.region"() ({
        %run_scoped3A = tpu.sem_alloc : memref<!tpu.dma_semaphore, #tpu.memory_space<semaphore_mem>>
        %dma_start3A_32 = arith.constant 0 : i32
        %dma_start3A_33 = tpu.memref_slice %arg6[%add3A_31, %dma_start3A_32] : memref<20480x128xf32, #tpu.memory_space<hbm>> -> memref<128x128xf32, #tpu.memory_space<hbm>>
        %dma_start3A_34 = arith.constant 0 : i32
        %dma_start3A_35 = tpu.memref_slice %arg6[%add3A_31, %dma_start3A_34] : memref<20480x128xf32, #tpu.memory_space<hbm>> -> memref<128x128xf32, #tpu.memory_space<hbm>>
        tpu.enqueue_dma source(%arg11 : memref<128x128xf32, #tpu.memory_space<vmem>>) target(%dma_start3A_35 : memref<128x128xf32, #tpu.memory_space<hbm>>) target_semaphore(%run_scoped3A : memref<!tpu.dma_semaphore, #tpu.memory_space<semaphore_mem>>)
        %dma_wait3A = arith.constant 0 : i32
        %dma_wait3A_36 = tpu.memref_slice %arg6[%add3A_31, %dma_wait3A] : memref<20480x128xf32, #tpu.memory_space<hbm>> -> memref<128x128xf32, #tpu.memory_space<hbm>>
        %dma_wait3A_37 = arith.constant 0 : i32
        %dma_wait3A_38 = tpu.memref_slice %arg6[%add3A_31, %dma_wait3A_37] : memref<20480x128xf32, #tpu.memory_space<hbm>> -> memref<128x128xf32, #tpu.memory_space<hbm>>
        tpu.wait_dma2 semaphore(%run_scoped3A : memref<!tpu.dma_semaphore, #tpu.memory_space<semaphore_mem>>) src(%arg11 : memref<128x128xf32, #tpu.memory_space<vmem>>) dst(%dma_wait3A_38 : memref<128x128xf32, #tpu.memory_space<hbm>>)
        tpu.yield
      }) : () -> ()
    }
    %scan3A_21 = arith.constant 5 : i32
    return
  }
}

#map = affine_map<(d0, d1) -> (0, 0)>
#map1 = affine_map<(d0, d1) -> (0)>
module attributes {stable_mosaic.version = 14 : i64} {
  func.func @_sc_agg_deg(%arg0: i32, %arg1: i32, %arg2: memref<10240x128xf32, #tpu.memory_space<hbm>>, %arg3: memref<327680xi32, #tpu.memory_space<hbm>>, %arg4: memref<327680xi32, #tpu.memory_space<hbm>>, %arg5: memref<128x128xf32, #tpu.memory_space<hbm>>, %arg6: memref<128x128xf32, #tpu.memory_space<hbm>>, %arg7: memref<20480x128xf32, #tpu.memory_space<hbm>>, %arg8: memref<20480x128xf32, #tpu.memory_space<hbm>>, %arg9: memref<128xi32, #tpu.memory_space<vmem>>, %arg10: memref<128xi32, #tpu.memory_space<vmem>>, %arg11: memref<128xi32, #tpu.memory_space<vmem>>, %arg12: memref<128xi32, #tpu.memory_space<vmem>>, %arg13: memref<128x128xf32, #tpu.memory_space<vmem>>, %arg14: memref<128x128xf32, #tpu.memory_space<vmem>>, %arg15: memref<!tpu.dma_semaphore, #tpu.memory_space<semaphore_mem>>, %arg16: memref<!tpu.dma_semaphore, #tpu.memory_space<semaphore_mem>>, %arg17: memref<10240x128xf32, #tpu.memory_space<vmem_shared>>) attributes {dimension_semantics = [#tpu.dimension_semantics<core_parallel>, #tpu.dimension_semantics<subcore_parallel>], iteration_bounds = array<i64: 2, 16>, scalar_prefetch = 0 : i64, scratch_operands = 9 : i64, tpu.core_type = #tpu.core_type<sc_vector_subcore>, window_params = [{transform_indices = #map}, {transform_indices = #map1}, {transform_indices = #map1}, {transform_indices = #map}, {transform_indices = #map}, {transform_indices = #map}, {transform_indices = #map}]} {
    %mul3A = arith.constant 2 : i32
    %mul3A_0 = arith.muli %arg1, %mul3A : i32
    %add3A = arith.addi %mul3A_0, %arg0 : i32
    %mul3A_1 = arith.constant 10240 : i32
    %mul3A_2 = arith.muli %add3A, %mul3A_1 : i32
    %mul3A_3 = arith.constant 640 : i32
    %mul3A_4 = arith.muli %arg1, %mul3A_3 : i32
    "tpu.region"() ({
      %run_scoped3A = tpu.sem_alloc : memref<!tpu.dma_semaphore, #tpu.memory_space<semaphore_mem>>
      tpu.enqueue_dma source(%arg5 : memref<128x128xf32, #tpu.memory_space<hbm>>) target(%arg13 : memref<128x128xf32, #tpu.memory_space<vmem>>) target_semaphore(%run_scoped3A : memref<!tpu.dma_semaphore, #tpu.memory_space<semaphore_mem>>)
      tpu.wait_dma2 semaphore(%run_scoped3A : memref<!tpu.dma_semaphore, #tpu.memory_space<semaphore_mem>>) src(%arg5 : memref<128x128xf32, #tpu.memory_space<hbm>>) dst(%arg13 : memref<128x128xf32, #tpu.memory_space<vmem>>)
      tpu.yield
    }) : () -> ()
    %scan3A = arith.constant 0 : i32
    %scan3A_5 = arith.constant 5 : i32
    %scan3A_6 = arith.addi %scan3A, %scan3A_5 : i32
    %scan3A_7 = arith.constant 1 : i32
    scf.for %scan3A_39 = %scan3A to %scan3A_6 step %scan3A_7  : i32 {
      %mul3A_40 = arith.constant 128 : i32
      %mul3A_41 = arith.muli %scan3A_39, %mul3A_40 : i32
      %add3A_42 = arith.constant 0 : i32
      %add3A_43 = arith.addi %add3A_42, %mul3A_41 : i32
      %add3A_44 = arith.addi %mul3A_4, %add3A_43 : i32
      "tpu.region"() ({
        %run_scoped3A = tpu.sem_alloc : memref<!tpu.dma_semaphore, #tpu.memory_space<semaphore_mem>>
        %dma_start3A_45 = arith.constant 0 : i32
        %dma_start3A_46 = tpu.memref_slice %arg17[%add3A_44, %dma_start3A_45] : memref<10240x128xf32, #tpu.memory_space<vmem_shared>> -> memref<128x128xf32, #tpu.memory_space<vmem_shared>>
        %dma_start3A_47 = arith.constant 0 : i32
        %dma_start3A_48 = tpu.memref_slice %arg17[%add3A_44, %dma_start3A_47] : memref<10240x128xf32, #tpu.memory_space<vmem_shared>> -> memref<128x128xf32, #tpu.memory_space<vmem_shared>>
        tpu.enqueue_dma source(%arg13 : memref<128x128xf32, #tpu.memory_space<vmem>>) target(%dma_start3A_48 : memref<128x128xf32, #tpu.memory_space<vmem_shared>>) target_semaphore(%run_scoped3A : memref<!tpu.dma_semaphore, #tpu.memory_space<semaphore_mem>>)
        %dma_wait3A = arith.constant 0 : i32
        %dma_wait3A_49 = tpu.memref_slice %arg17[%add3A_44, %dma_wait3A] : memref<10240x128xf32, #tpu.memory_space<vmem_shared>> -> memref<128x128xf32, #tpu.memory_space<vmem_shared>>
        %dma_wait3A_50 = arith.constant 0 : i32
        %dma_wait3A_51 = tpu.memref_slice %arg17[%add3A_44, %dma_wait3A_50] : memref<10240x128xf32, #tpu.memory_space<vmem_shared>> -> memref<128x128xf32, #tpu.memory_space<vmem_shared>>
        tpu.wait_dma2 semaphore(%run_scoped3A : memref<!tpu.dma_semaphore, #tpu.memory_space<semaphore_mem>>) src(%arg13 : memref<128x128xf32, #tpu.memory_space<vmem>>) dst(%dma_wait3A_51 : memref<128x128xf32, #tpu.memory_space<vmem_shared>>)
        tpu.yield
      }) : () -> ()
    }
    %scan3A_8 = arith.constant 5 : i32
    "tpu.region"() ({
      %run_scoped3A = tpu.sem_alloc : memref<!tpu.dma_semaphore, #tpu.memory_space<semaphore_mem>>
      tpu.enqueue_dma source(%arg6 : memref<128x128xf32, #tpu.memory_space<hbm>>) target(%arg13 : memref<128x128xf32, #tpu.memory_space<vmem>>) target_semaphore(%run_scoped3A : memref<!tpu.dma_semaphore, #tpu.memory_space<semaphore_mem>>)
      tpu.wait_dma2 semaphore(%run_scoped3A : memref<!tpu.dma_semaphore, #tpu.memory_space<semaphore_mem>>) src(%arg6 : memref<128x128xf32, #tpu.memory_space<hbm>>) dst(%arg13 : memref<128x128xf32, #tpu.memory_space<vmem>>)
      tpu.yield
    }) : () -> ()
    %barrier3A = arith.constant 0 : index
    tpu.barrier barrier_id(%barrier3A)
    %scan3A_9 = arith.constant 0 : i32
    %scan3A_10 = arith.constant 80 : i32
    %scan3A_11 = arith.addi %scan3A_9, %scan3A_10 : i32
    %scan3A_12 = arith.constant 1 : i32
    scf.for %scan3A_39 = %scan3A_9 to %scan3A_11 step %scan3A_12  : i32 {
      %mul3A_40 = arith.constant 1 : i32
      %mul3A_41 = arith.muli %scan3A_39, %mul3A_40 : i32
      %add3A_42 = arith.constant 0 : i32
      %add3A_43 = arith.addi %add3A_42, %mul3A_41 : i32
      %mul3A_44 = arith.constant 128 : i32
      %mul3A_45 = arith.muli %add3A_43, %mul3A_44 : i32
      %add3A_46 = arith.addi %mul3A_2, %mul3A_45 : i32
      "tpu.region"() ({
        %run_scoped3A = tpu.sem_alloc : memref<!tpu.dma_semaphore, #tpu.memory_space<semaphore_mem>>
        %dma_start3A_47 = tpu.memref_slice %arg4[%add3A_46] : memref<327680xi32, #tpu.memory_space<hbm>> -> memref<128xi32, #tpu.memory_space<hbm>>
        %dma_start3A_48 = tpu.memref_slice %arg4[%add3A_46] : memref<327680xi32, #tpu.memory_space<hbm>> -> memref<128xi32, #tpu.memory_space<hbm>>
        tpu.enqueue_dma source(%dma_start3A_48 : memref<128xi32, #tpu.memory_space<hbm>>) target(%arg10 : memref<128xi32, #tpu.memory_space<vmem>>) target_semaphore(%run_scoped3A : memref<!tpu.dma_semaphore, #tpu.memory_space<semaphore_mem>>)
        %dma_wait3A = tpu.memref_slice %arg4[%add3A_46] : memref<327680xi32, #tpu.memory_space<hbm>> -> memref<128xi32, #tpu.memory_space<hbm>>
        %dma_wait3A_49 = tpu.memref_slice %arg4[%add3A_46] : memref<327680xi32, #tpu.memory_space<hbm>> -> memref<128xi32, #tpu.memory_space<hbm>>
        tpu.wait_dma2 semaphore(%run_scoped3A : memref<!tpu.dma_semaphore, #tpu.memory_space<semaphore_mem>>) src(%dma_wait3A_49 : memref<128xi32, #tpu.memory_space<hbm>>) dst(%arg10 : memref<128xi32, #tpu.memory_space<vmem>>)
        tpu.yield
      }) : () -> ()
      "tpu.region"() ({
        %run_scoped3A = tpu.sem_alloc : memref<!tpu.dma_semaphore, #tpu.memory_space<semaphore_mem>>
        %dma_start3A_47 = arith.constant 0 : i32
        %dma_start3A_48 = arith.constant 0 : i32
        %dma_start3A_49 = tpu.memref_slice %arg17[%dma_start3A_47, %dma_start3A_48] : memref<10240x128xf32, #tpu.memory_space<vmem_shared>> -> memref<10240x128xf32, #tpu.memory_space<vmem_shared>>
        tpu.enqueue_indirect_dma source(%arg13 : memref<128x128xf32, #tpu.memory_space<vmem>>) target(%dma_start3A_49 : memref<10240x128xf32, #tpu.memory_space<vmem_shared>>) offsets(%arg10 : memref<128xi32, #tpu.memory_space<vmem>>) semaphore(%run_scoped3A : memref<!tpu.dma_semaphore, #tpu.memory_space<semaphore_mem>>) {add = true}
        %dma_wait3A = arith.constant 0 : i32
        %dma_wait3A_50 = arith.constant 0 : i32
        %dma_wait3A_51 = tpu.memref_slice %arg17[%dma_wait3A, %dma_wait3A_50] : memref<10240x128xf32, #tpu.memory_space<vmem_shared>> -> memref<10240x128xf32, #tpu.memory_space<vmem_shared>>
        tpu.wait_indirect_dma semaphore(%run_scoped3A : memref<!tpu.dma_semaphore, #tpu.memory_space<semaphore_mem>>) src(%arg13 : memref<128x128xf32, #tpu.memory_space<vmem>>) dst(%dma_wait3A_51 : memref<10240x128xf32, #tpu.memory_space<vmem_shared>>)
        tpu.yield
      }) : () -> ()
    }
    %scan3A_13 = arith.constant 80 : i32
    %barrier3A_14 = arith.constant 0 : index
    tpu.barrier barrier_id(%barrier3A_14)
    %scan3A_15 = arith.constant 0 : i32
    %scan3A_16 = arith.constant 5 : i32
    %scan3A_17 = arith.addi %scan3A_15, %scan3A_16 : i32
    %scan3A_18 = arith.constant 1 : i32
    scf.for %scan3A_39 = %scan3A_15 to %scan3A_17 step %scan3A_18  : i32 {
      %mul3A_40 = arith.constant 128 : i32
      %mul3A_41 = arith.muli %scan3A_39, %mul3A_40 : i32
      %add3A_42 = arith.constant 0 : i32
      %add3A_43 = arith.addi %add3A_42, %mul3A_41 : i32
      %add3A_44 = arith.addi %mul3A_4, %add3A_43 : i32
      "tpu.region"() ({
        %run_scoped3A = tpu.sem_alloc : memref<!tpu.dma_semaphore, #tpu.memory_space<semaphore_mem>>
        %dma_start3A_49 = arith.constant 0 : i32
        %dma_start3A_50 = tpu.memref_slice %arg17[%add3A_44, %dma_start3A_49] : memref<10240x128xf32, #tpu.memory_space<vmem_shared>> -> memref<128x128xf32, #tpu.memory_space<vmem_shared>>
        %dma_start3A_51 = arith.constant 0 : i32
        %dma_start3A_52 = tpu.memref_slice %arg17[%add3A_44, %dma_start3A_51] : memref<10240x128xf32, #tpu.memory_space<vmem_shared>> -> memref<128x128xf32, #tpu.memory_space<vmem_shared>>
        tpu.enqueue_dma source(%dma_start3A_52 : memref<128x128xf32, #tpu.memory_space<vmem_shared>>) target(%arg13 : memref<128x128xf32, #tpu.memory_space<vmem>>) target_semaphore(%run_scoped3A : memref<!tpu.dma_semaphore, #tpu.memory_space<semaphore_mem>>)
        %dma_wait3A = arith.constant 0 : i32
        %dma_wait3A_53 = tpu.memref_slice %arg17[%add3A_44, %dma_wait3A] : memref<10240x128xf32, #tpu.memory_space<vmem_shared>> -> memref<128x128xf32, #tpu.memory_space<vmem_shared>>
        %dma_wait3A_54 = arith.constant 0 : i32
        %dma_wait3A_55 = tpu.memref_slice %arg17[%add3A_44, %dma_wait3A_54] : memref<10240x128xf32, #tpu.memory_space<vmem_shared>> -> memref<128x128xf32, #tpu.memory_space<vmem_shared>>
        tpu.wait_dma2 semaphore(%run_scoped3A : memref<!tpu.dma_semaphore, #tpu.memory_space<semaphore_mem>>) src(%dma_wait3A_55 : memref<128x128xf32, #tpu.memory_space<vmem_shared>>) dst(%arg13 : memref<128x128xf32, #tpu.memory_space<vmem>>)
        tpu.yield
      }) : () -> ()
      %mul3A_45 = arith.constant 10240 : i32
      %mul3A_46 = arith.muli %arg0, %mul3A_45 : i32
      %add3A_47 = arith.addi %mul3A_46, %mul3A_4 : i32
      %add3A_48 = arith.addi %add3A_47, %add3A_43 : i32
      "tpu.region"() ({
        %run_scoped3A = tpu.sem_alloc : memref<!tpu.dma_semaphore, #tpu.memory_space<semaphore_mem>>
        %dma_start3A_49 = arith.constant 0 : i32
        %dma_start3A_50 = tpu.memref_slice %arg8[%add3A_48, %dma_start3A_49] : memref<20480x128xf32, #tpu.memory_space<hbm>> -> memref<128x128xf32, #tpu.memory_space<hbm>>
        %dma_start3A_51 = arith.constant 0 : i32
        %dma_start3A_52 = tpu.memref_slice %arg8[%add3A_48, %dma_start3A_51] : memref<20480x128xf32, #tpu.memory_space<hbm>> -> memref<128x128xf32, #tpu.memory_space<hbm>>
        tpu.enqueue_dma source(%arg13 : memref<128x128xf32, #tpu.memory_space<vmem>>) target(%dma_start3A_52 : memref<128x128xf32, #tpu.memory_space<hbm>>) target_semaphore(%run_scoped3A : memref<!tpu.dma_semaphore, #tpu.memory_space<semaphore_mem>>)
        %dma_wait3A = arith.constant 0 : i32
        %dma_wait3A_53 = tpu.memref_slice %arg8[%add3A_48, %dma_wait3A] : memref<20480x128xf32, #tpu.memory_space<hbm>> -> memref<128x128xf32, #tpu.memory_space<hbm>>
        %dma_wait3A_54 = arith.constant 0 : i32
        %dma_wait3A_55 = tpu.memref_slice %arg8[%add3A_48, %dma_wait3A_54] : memref<20480x128xf32, #tpu.memory_space<hbm>> -> memref<128x128xf32, #tpu.memory_space<hbm>>
        tpu.wait_dma2 semaphore(%run_scoped3A : memref<!tpu.dma_semaphore, #tpu.memory_space<semaphore_mem>>) src(%arg13 : memref<128x128xf32, #tpu.memory_space<vmem>>) dst(%dma_wait3A_55 : memref<128x128xf32, #tpu.memory_space<hbm>>)
        tpu.yield
      }) : () -> ()
    }
    %scan3A_19 = arith.constant 5 : i32
    "tpu.region"() ({
      %run_scoped3A = tpu.sem_alloc : memref<!tpu.dma_semaphore, #tpu.memory_space<semaphore_mem>>
      tpu.enqueue_dma source(%arg5 : memref<128x128xf32, #tpu.memory_space<hbm>>) target(%arg13 : memref<128x128xf32, #tpu.memory_space<vmem>>) target_semaphore(%run_scoped3A : memref<!tpu.dma_semaphore, #tpu.memory_space<semaphore_mem>>)
      tpu.wait_dma2 semaphore(%run_scoped3A : memref<!tpu.dma_semaphore, #tpu.memory_space<semaphore_mem>>) src(%arg5 : memref<128x128xf32, #tpu.memory_space<hbm>>) dst(%arg13 : memref<128x128xf32, #tpu.memory_space<vmem>>)
      tpu.yield
    }) : () -> ()
    %scan3A_20 = arith.constant 0 : i32
    %scan3A_21 = arith.constant 5 : i32
    %scan3A_22 = arith.addi %scan3A_20, %scan3A_21 : i32
    %scan3A_23 = arith.constant 1 : i32
    scf.for %scan3A_39 = %scan3A_20 to %scan3A_22 step %scan3A_23  : i32 {
      %mul3A_40 = arith.constant 128 : i32
      %mul3A_41 = arith.muli %scan3A_39, %mul3A_40 : i32
      %add3A_42 = arith.constant 0 : i32
      %add3A_43 = arith.addi %add3A_42, %mul3A_41 : i32
      %add3A_44 = arith.addi %mul3A_4, %add3A_43 : i32
      "tpu.region"() ({
        %run_scoped3A = tpu.sem_alloc : memref<!tpu.dma_semaphore, #tpu.memory_space<semaphore_mem>>
        %dma_start3A_45 = arith.constant 0 : i32
        %dma_start3A_46 = tpu.memref_slice %arg17[%add3A_44, %dma_start3A_45] : memref<10240x128xf32, #tpu.memory_space<vmem_shared>> -> memref<128x128xf32, #tpu.memory_space<vmem_shared>>
        %dma_start3A_47 = arith.constant 0 : i32
        %dma_start3A_48 = tpu.memref_slice %arg17[%add3A_44, %dma_start3A_47] : memref<10240x128xf32, #tpu.memory_space<vmem_shared>> -> memref<128x128xf32, #tpu.memory_space<vmem_shared>>
        tpu.enqueue_dma source(%arg13 : memref<128x128xf32, #tpu.memory_space<vmem>>) target(%dma_start3A_48 : memref<128x128xf32, #tpu.memory_space<vmem_shared>>) target_semaphore(%run_scoped3A : memref<!tpu.dma_semaphore, #tpu.memory_space<semaphore_mem>>)
        %dma_wait3A = arith.constant 0 : i32
        %dma_wait3A_49 = tpu.memref_slice %arg17[%add3A_44, %dma_wait3A] : memref<10240x128xf32, #tpu.memory_space<vmem_shared>> -> memref<128x128xf32, #tpu.memory_space<vmem_shared>>
        %dma_wait3A_50 = arith.constant 0 : i32
        %dma_wait3A_51 = tpu.memref_slice %arg17[%add3A_44, %dma_wait3A_50] : memref<10240x128xf32, #tpu.memory_space<vmem_shared>> -> memref<128x128xf32, #tpu.memory_space<vmem_shared>>
        tpu.wait_dma2 semaphore(%run_scoped3A : memref<!tpu.dma_semaphore, #tpu.memory_space<semaphore_mem>>) src(%arg13 : memref<128x128xf32, #tpu.memory_space<vmem>>) dst(%dma_wait3A_51 : memref<128x128xf32, #tpu.memory_space<vmem_shared>>)
        tpu.yield
      }) : () -> ()
    }
    %scan3A_24 = arith.constant 5 : i32
    %barrier3A_25 = arith.constant 0 : index
    tpu.barrier barrier_id(%barrier3A_25)
    "tpu.region"() ({
      %run_scoped3A = tpu.sem_alloc : memref<!tpu.dma_semaphore, #tpu.memory_space<semaphore_mem>>
      %dma_start3A_39 = tpu.memref_slice %arg3[%mul3A_2] : memref<327680xi32, #tpu.memory_space<hbm>> -> memref<128xi32, #tpu.memory_space<hbm>>
      %dma_start3A_40 = tpu.memref_slice %arg3[%mul3A_2] : memref<327680xi32, #tpu.memory_space<hbm>> -> memref<128xi32, #tpu.memory_space<hbm>>
      tpu.enqueue_dma source(%dma_start3A_40 : memref<128xi32, #tpu.memory_space<hbm>>) target(%arg9 : memref<128xi32, #tpu.memory_space<vmem>>) target_semaphore(%run_scoped3A : memref<!tpu.dma_semaphore, #tpu.memory_space<semaphore_mem>>)
      %dma_wait3A = tpu.memref_slice %arg3[%mul3A_2] : memref<327680xi32, #tpu.memory_space<hbm>> -> memref<128xi32, #tpu.memory_space<hbm>>
      %dma_wait3A_41 = tpu.memref_slice %arg3[%mul3A_2] : memref<327680xi32, #tpu.memory_space<hbm>> -> memref<128xi32, #tpu.memory_space<hbm>>
      tpu.wait_dma2 semaphore(%run_scoped3A : memref<!tpu.dma_semaphore, #tpu.memory_space<semaphore_mem>>) src(%dma_wait3A_41 : memref<128xi32, #tpu.memory_space<hbm>>) dst(%arg9 : memref<128xi32, #tpu.memory_space<vmem>>)
      tpu.yield
    }) : () -> ()
    "tpu.region"() ({
      %run_scoped3A = tpu.sem_alloc : memref<!tpu.dma_semaphore, #tpu.memory_space<semaphore_mem>>
      %dma_start3A_39 = tpu.memref_slice %arg4[%mul3A_2] : memref<327680xi32, #tpu.memory_space<hbm>> -> memref<128xi32, #tpu.memory_space<hbm>>
      %dma_start3A_40 = tpu.memref_slice %arg4[%mul3A_2] : memref<327680xi32, #tpu.memory_space<hbm>> -> memref<128xi32, #tpu.memory_space<hbm>>
      tpu.enqueue_dma source(%dma_start3A_40 : memref<128xi32, #tpu.memory_space<hbm>>) target(%arg10 : memref<128xi32, #tpu.memory_space<vmem>>) target_semaphore(%run_scoped3A : memref<!tpu.dma_semaphore, #tpu.memory_space<semaphore_mem>>)
      %dma_wait3A = tpu.memref_slice %arg4[%mul3A_2] : memref<327680xi32, #tpu.memory_space<hbm>> -> memref<128xi32, #tpu.memory_space<hbm>>
      %dma_wait3A_41 = tpu.memref_slice %arg4[%mul3A_2] : memref<327680xi32, #tpu.memory_space<hbm>> -> memref<128xi32, #tpu.memory_space<hbm>>
      tpu.wait_dma2 semaphore(%run_scoped3A : memref<!tpu.dma_semaphore, #tpu.memory_space<semaphore_mem>>) src(%dma_wait3A_41 : memref<128xi32, #tpu.memory_space<hbm>>) dst(%arg10 : memref<128xi32, #tpu.memory_space<vmem>>)
      tpu.yield
    }) : () -> ()
    %dma_start3A = arith.constant 0 : i32
    %dma_start3A_26 = arith.constant 0 : i32
    %dma_start3A_27 = tpu.memref_slice %arg2[%dma_start3A, %dma_start3A_26] : memref<10240x128xf32, #tpu.memory_space<hbm>> -> memref<10240x128xf32, #tpu.memory_space<hbm>>
    tpu.enqueue_indirect_dma source(%dma_start3A_27 : memref<10240x128xf32, #tpu.memory_space<hbm>>) target(%arg13 : memref<128x128xf32, #tpu.memory_space<vmem>>) offsets(%arg9 : memref<128xi32, #tpu.memory_space<vmem>>) semaphore(%arg15 : memref<!tpu.dma_semaphore, #tpu.memory_space<semaphore_mem>>)
    %scan3A_28 = arith.constant 0 : i32
    %scan3A_29 = arith.constant 40 : i32
    %scan3A_30 = arith.addi %scan3A_28, %scan3A_29 : i32
    %scan3A_31 = arith.constant 1 : i32
    scf.for %scan3A_39 = %scan3A_28 to %scan3A_30 step %scan3A_31  : i32 {
      %mul3A_40 = arith.constant 2 : i32
      %mul3A_41 = arith.muli %scan3A_39, %mul3A_40 : i32
      %add3A_42 = arith.constant 0 : i32
      %add3A_43 = arith.addi %add3A_42, %mul3A_41 : i32
      %add3A_44 = arith.constant 1 : i32
      %add3A_45 = arith.addi %add3A_43, %add3A_44 : i32
      %mul3A_46 = arith.constant 128 : i32
      %mul3A_47 = arith.muli %add3A_45, %mul3A_46 : i32
      %add3A_48 = arith.addi %mul3A_2, %mul3A_47 : i32
      "tpu.region"() ({
        %run_scoped3A = tpu.sem_alloc : memref<!tpu.dma_semaphore, #tpu.memory_space<semaphore_mem>>
        %dma_start3A_66 = tpu.memref_slice %arg3[%add3A_48] : memref<327680xi32, #tpu.memory_space<hbm>> -> memref<128xi32, #tpu.memory_space<hbm>>
        %dma_start3A_67 = tpu.memref_slice %arg3[%add3A_48] : memref<327680xi32, #tpu.memory_space<hbm>> -> memref<128xi32, #tpu.memory_space<hbm>>
        tpu.enqueue_dma source(%dma_start3A_67 : memref<128xi32, #tpu.memory_space<hbm>>) target(%arg11 : memref<128xi32, #tpu.memory_space<vmem>>) target_semaphore(%run_scoped3A : memref<!tpu.dma_semaphore, #tpu.memory_space<semaphore_mem>>)
        %dma_wait3A_68 = tpu.memref_slice %arg3[%add3A_48] : memref<327680xi32, #tpu.memory_space<hbm>> -> memref<128xi32, #tpu.memory_space<hbm>>
        %dma_wait3A_69 = tpu.memref_slice %arg3[%add3A_48] : memref<327680xi32, #tpu.memory_space<hbm>> -> memref<128xi32, #tpu.memory_space<hbm>>
        tpu.wait_dma2 semaphore(%run_scoped3A : memref<!tpu.dma_semaphore, #tpu.memory_space<semaphore_mem>>) src(%dma_wait3A_69 : memref<128xi32, #tpu.memory_space<hbm>>) dst(%arg11 : memref<128xi32, #tpu.memory_space<vmem>>)
        tpu.yield
      }) : () -> ()
      %add3A_49 = arith.constant 1 : i32
      %add3A_50 = arith.addi %add3A_43, %add3A_49 : i32
      %mul3A_51 = arith.constant 128 : i32
      %mul3A_52 = arith.muli %add3A_50, %mul3A_51 : i32
      %add3A_53 = arith.addi %mul3A_2, %mul3A_52 : i32
      "tpu.region"() ({
        %run_scoped3A = tpu.sem_alloc : memref<!tpu.dma_semaphore, #tpu.memory_space<semaphore_mem>>
        %dma_start3A_66 = tpu.memref_slice %arg4[%add3A_53] : memref<327680xi32, #tpu.memory_space<hbm>> -> memref<128xi32, #tpu.memory_space<hbm>>
        %dma_start3A_67 = tpu.memref_slice %arg4[%add3A_53] : memref<327680xi32, #tpu.memory_space<hbm>> -> memref<128xi32, #tpu.memory_space<hbm>>
        tpu.enqueue_dma source(%dma_start3A_67 : memref<128xi32, #tpu.memory_space<hbm>>) target(%arg12 : memref<128xi32, #tpu.memory_space<vmem>>) target_semaphore(%run_scoped3A : memref<!tpu.dma_semaphore, #tpu.memory_space<semaphore_mem>>)
        %dma_wait3A_68 = tpu.memref_slice %arg4[%add3A_53] : memref<327680xi32, #tpu.memory_space<hbm>> -> memref<128xi32, #tpu.memory_space<hbm>>
        %dma_wait3A_69 = tpu.memref_slice %arg4[%add3A_53] : memref<327680xi32, #tpu.memory_space<hbm>> -> memref<128xi32, #tpu.memory_space<hbm>>
        tpu.wait_dma2 semaphore(%run_scoped3A : memref<!tpu.dma_semaphore, #tpu.memory_space<semaphore_mem>>) src(%dma_wait3A_69 : memref<128xi32, #tpu.memory_space<hbm>>) dst(%arg12 : memref<128xi32, #tpu.memory_space<vmem>>)
        tpu.yield
      }) : () -> ()
      %dma_start3A_54 = arith.constant 0 : i32
      %dma_start3A_55 = arith.constant 0 : i32
      %dma_start3A_56 = tpu.memref_slice %arg2[%dma_start3A_54, %dma_start3A_55] : memref<10240x128xf32, #tpu.memory_space<hbm>> -> memref<10240x128xf32, #tpu.memory_space<hbm>>
      tpu.enqueue_indirect_dma source(%dma_start3A_56 : memref<10240x128xf32, #tpu.memory_space<hbm>>) target(%arg14 : memref<128x128xf32, #tpu.memory_space<vmem>>) offsets(%arg11 : memref<128xi32, #tpu.memory_space<vmem>>) semaphore(%arg16 : memref<!tpu.dma_semaphore, #tpu.memory_space<semaphore_mem>>)
      %dma_wait3A = arith.constant 0 : i32
      %dma_wait3A_57 = arith.constant 0 : i32
      %dma_wait3A_58 = tpu.memref_slice %arg2[%dma_wait3A, %dma_wait3A_57] : memref<10240x128xf32, #tpu.memory_space<hbm>> -> memref<10240x128xf32, #tpu.memory_space<hbm>>
      tpu.wait_indirect_dma semaphore(%arg15 : memref<!tpu.dma_semaphore, #tpu.memory_space<semaphore_mem>>) src(%dma_wait3A_58 : memref<10240x128xf32, #tpu.memory_space<hbm>>) dst(%arg13 : memref<128x128xf32, #tpu.memory_space<vmem>>)
      "tpu.region"() ({
        %run_scoped3A = tpu.sem_alloc : memref<!tpu.dma_semaphore, #tpu.memory_space<semaphore_mem>>
        %dma_start3A_66 = arith.constant 0 : i32
        %dma_start3A_67 = arith.constant 0 : i32
        %dma_start3A_68 = tpu.memref_slice %arg17[%dma_start3A_66, %dma_start3A_67] : memref<10240x128xf32, #tpu.memory_space<vmem_shared>> -> memref<10240x128xf32, #tpu.memory_space<vmem_shared>>
        tpu.enqueue_indirect_dma source(%arg13 : memref<128x128xf32, #tpu.memory_space<vmem>>) target(%dma_start3A_68 : memref<10240x128xf32, #tpu.memory_space<vmem_shared>>) offsets(%arg10 : memref<128xi32, #tpu.memory_space<vmem>>) semaphore(%run_scoped3A : memref<!tpu.dma_semaphore, #tpu.memory_space<semaphore_mem>>) {add = true}
        %dma_wait3A_69 = arith.constant 0 : i32
        %dma_wait3A_70 = arith.constant 0 : i32
        %dma_wait3A_71 = tpu.memref_slice %arg17[%dma_wait3A_69, %dma_wait3A_70] : memref<10240x128xf32, #tpu.memory_space<vmem_shared>> -> memref<10240x128xf32, #tpu.memory_space<vmem_shared>>
        tpu.wait_indirect_dma semaphore(%run_scoped3A : memref<!tpu.dma_semaphore, #tpu.memory_space<semaphore_mem>>) src(%arg13 : memref<128x128xf32, #tpu.memory_space<vmem>>) dst(%dma_wait3A_71 : memref<10240x128xf32, #tpu.memory_space<vmem_shared>>)
        tpu.yield
      }) : () -> ()
      %add3A_59 = arith.constant 2 : i32
      %add3A_60 = arith.addi %add3A_43, %add3A_59 : i32
      %lt3A = arith.constant 80 : i32
      %lt3A_61 = arith.cmpi slt, %add3A_60, %lt3A : i32
      %convert_element_type3A = arith.extui %lt3A_61 : i1 to i32
      %cond3A = arith.constant 0 : i32
      %cond3A_62 = arith.cmpi ne, %convert_element_type3A, %cond3A : i32
      scf.if %cond3A_62 {
        %add3A_66 = arith.constant 2 : i32
        %add3A_67 = arith.addi %add3A_43, %add3A_66 : i32
        %mul3A_68 = arith.constant 128 : i32
        %mul3A_69 = arith.muli %add3A_67, %mul3A_68 : i32
        %add3A_70 = arith.addi %mul3A_2, %mul3A_69 : i32
        "tpu.region"() ({
          %run_scoped3A = tpu.sem_alloc : memref<!tpu.dma_semaphore, #tpu.memory_space<semaphore_mem>>
          %dma_start3A_79 = tpu.memref_slice %arg3[%add3A_70] : memref<327680xi32, #tpu.memory_space<hbm>> -> memref<128xi32, #tpu.memory_space<hbm>>
          %dma_start3A_80 = tpu.memref_slice %arg3[%add3A_70] : memref<327680xi32, #tpu.memory_space<hbm>> -> memref<128xi32, #tpu.memory_space<hbm>>
          tpu.enqueue_dma source(%dma_start3A_80 : memref<128xi32, #tpu.memory_space<hbm>>) target(%arg9 : memref<128xi32, #tpu.memory_space<vmem>>) target_semaphore(%run_scoped3A : memref<!tpu.dma_semaphore, #tpu.memory_space<semaphore_mem>>)
          %dma_wait3A_81 = tpu.memref_slice %arg3[%add3A_70] : memref<327680xi32, #tpu.memory_space<hbm>> -> memref<128xi32, #tpu.memory_space<hbm>>
          %dma_wait3A_82 = tpu.memref_slice %arg3[%add3A_70] : memref<327680xi32, #tpu.memory_space<hbm>> -> memref<128xi32, #tpu.memory_space<hbm>>
          tpu.wait_dma2 semaphore(%run_scoped3A : memref<!tpu.dma_semaphore, #tpu.memory_space<semaphore_mem>>) src(%dma_wait3A_82 : memref<128xi32, #tpu.memory_space<hbm>>) dst(%arg9 : memref<128xi32, #tpu.memory_space<vmem>>)
          tpu.yield
        }) : () -> ()
        %add3A_71 = arith.constant 2 : i32
        %add3A_72 = arith.addi %add3A_43, %add3A_71 : i32
        %mul3A_73 = arith.constant 128 : i32
        %mul3A_74 = arith.muli %add3A_72, %mul3A_73 : i32
        %add3A_75 = arith.addi %mul3A_2, %mul3A_74 : i32
        "tpu.region"() ({
          %run_scoped3A = tpu.sem_alloc : memref<!tpu.dma_semaphore, #tpu.memory_space<semaphore_mem>>
          %dma_start3A_79 = tpu.memref_slice %arg4[%add3A_75] : memref<327680xi32, #tpu.memory_space<hbm>> -> memref<128xi32, #tpu.memory_space<hbm>>
          %dma_start3A_80 = tpu.memref_slice %arg4[%add3A_75] : memref<327680xi32, #tpu.memory_space<hbm>> -> memref<128xi32, #tpu.memory_space<hbm>>
          tpu.enqueue_dma source(%dma_start3A_80 : memref<128xi32, #tpu.memory_space<hbm>>) target(%arg10 : memref<128xi32, #tpu.memory_space<vmem>>) target_semaphore(%run_scoped3A : memref<!tpu.dma_semaphore, #tpu.memory_space<semaphore_mem>>)
          %dma_wait3A_81 = tpu.memref_slice %arg4[%add3A_75] : memref<327680xi32, #tpu.memory_space<hbm>> -> memref<128xi32, #tpu.memory_space<hbm>>
          %dma_wait3A_82 = tpu.memref_slice %arg4[%add3A_75] : memref<327680xi32, #tpu.memory_space<hbm>> -> memref<128xi32, #tpu.memory_space<hbm>>
          tpu.wait_dma2 semaphore(%run_scoped3A : memref<!tpu.dma_semaphore, #tpu.memory_space<semaphore_mem>>) src(%dma_wait3A_82 : memref<128xi32, #tpu.memory_space<hbm>>) dst(%arg10 : memref<128xi32, #tpu.memory_space<vmem>>)
          tpu.yield
        }) : () -> ()
        %dma_start3A_76 = arith.constant 0 : i32
        %dma_start3A_77 = arith.constant 0 : i32
        %dma_start3A_78 = tpu.memref_slice %arg2[%dma_start3A_76, %dma_start3A_77] : memref<10240x128xf32, #tpu.memory_space<hbm>> -> memref<10240x128xf32, #tpu.memory_space<hbm>>
        tpu.enqueue_indirect_dma source(%dma_start3A_78 : memref<10240x128xf32, #tpu.memory_space<hbm>>) target(%arg13 : memref<128x128xf32, #tpu.memory_space<vmem>>) offsets(%arg9 : memref<128xi32, #tpu.memory_space<vmem>>) semaphore(%arg15 : memref<!tpu.dma_semaphore, #tpu.memory_space<semaphore_mem>>)
      } else {
      }
      %dma_wait3A_63 = arith.constant 0 : i32
      %dma_wait3A_64 = arith.constant 0 : i32
      %dma_wait3A_65 = tpu.memref_slice %arg2[%dma_wait3A_63, %dma_wait3A_64] : memref<10240x128xf32, #tpu.memory_space<hbm>> -> memref<10240x128xf32, #tpu.memory_space<hbm>>
      tpu.wait_indirect_dma semaphore(%arg16 : memref<!tpu.dma_semaphore, #tpu.memory_space<semaphore_mem>>) src(%dma_wait3A_65 : memref<10240x128xf32, #tpu.memory_space<hbm>>) dst(%arg14 : memref<128x128xf32, #tpu.memory_space<vmem>>)
      "tpu.region"() ({
        %run_scoped3A = tpu.sem_alloc : memref<!tpu.dma_semaphore, #tpu.memory_space<semaphore_mem>>
        %dma_start3A_66 = arith.constant 0 : i32
        %dma_start3A_67 = arith.constant 0 : i32
        %dma_start3A_68 = tpu.memref_slice %arg17[%dma_start3A_66, %dma_start3A_67] : memref<10240x128xf32, #tpu.memory_space<vmem_shared>> -> memref<10240x128xf32, #tpu.memory_space<vmem_shared>>
        tpu.enqueue_indirect_dma source(%arg14 : memref<128x128xf32, #tpu.memory_space<vmem>>) target(%dma_start3A_68 : memref<10240x128xf32, #tpu.memory_space<vmem_shared>>) offsets(%arg12 : memref<128xi32, #tpu.memory_space<vmem>>) semaphore(%run_scoped3A : memref<!tpu.dma_semaphore, #tpu.memory_space<semaphore_mem>>) {add = true}
        %dma_wait3A_69 = arith.constant 0 : i32
        %dma_wait3A_70 = arith.constant 0 : i32
        %dma_wait3A_71 = tpu.memref_slice %arg17[%dma_wait3A_69, %dma_wait3A_70] : memref<10240x128xf32, #tpu.memory_space<vmem_shared>> -> memref<10240x128xf32, #tpu.memory_space<vmem_shared>>
        tpu.wait_indirect_dma semaphore(%run_scoped3A : memref<!tpu.dma_semaphore, #tpu.memory_space<semaphore_mem>>) src(%arg14 : memref<128x128xf32, #tpu.memory_space<vmem>>) dst(%dma_wait3A_71 : memref<10240x128xf32, #tpu.memory_space<vmem_shared>>)
        tpu.yield
      }) : () -> ()
    }
    %scan3A_32 = arith.constant 40 : i32
    %barrier3A_33 = arith.constant 0 : index
    tpu.barrier barrier_id(%barrier3A_33)
    %scan3A_34 = arith.constant 0 : i32
    %scan3A_35 = arith.constant 5 : i32
    %scan3A_36 = arith.addi %scan3A_34, %scan3A_35 : i32
    %scan3A_37 = arith.constant 1 : i32
    scf.for %scan3A_39 = %scan3A_34 to %scan3A_36 step %scan3A_37  : i32 {
      %mul3A_40 = arith.constant 128 : i32
      %mul3A_41 = arith.muli %scan3A_39, %mul3A_40 : i32
      %add3A_42 = arith.constant 0 : i32
      %add3A_43 = arith.addi %add3A_42, %mul3A_41 : i32
      %add3A_44 = arith.addi %mul3A_4, %add3A_43 : i32
      "tpu.region"() ({
        %run_scoped3A = tpu.sem_alloc : memref<!tpu.dma_semaphore, #tpu.memory_space<semaphore_mem>>
        %dma_start3A_49 = arith.constant 0 : i32
        %dma_start3A_50 = tpu.memref_slice %arg17[%add3A_44, %dma_start3A_49] : memref<10240x128xf32, #tpu.memory_space<vmem_shared>> -> memref<128x128xf32, #tpu.memory_space<vmem_shared>>
        %dma_start3A_51 = arith.constant 0 : i32
        %dma_start3A_52 = tpu.memref_slice %arg17[%add3A_44, %dma_start3A_51] : memref<10240x128xf32, #tpu.memory_space<vmem_shared>> -> memref<128x128xf32, #tpu.memory_space<vmem_shared>>
        tpu.enqueue_dma source(%dma_start3A_52 : memref<128x128xf32, #tpu.memory_space<vmem_shared>>) target(%arg13 : memref<128x128xf32, #tpu.memory_space<vmem>>) target_semaphore(%run_scoped3A : memref<!tpu.dma_semaphore, #tpu.memory_space<semaphore_mem>>)
        %dma_wait3A = arith.constant 0 : i32
        %dma_wait3A_53 = tpu.memref_slice %arg17[%add3A_44, %dma_wait3A] : memref<10240x128xf32, #tpu.memory_space<vmem_shared>> -> memref<128x128xf32, #tpu.memory_space<vmem_shared>>
        %dma_wait3A_54 = arith.constant 0 : i32
        %dma_wait3A_55 = tpu.memref_slice %arg17[%add3A_44, %dma_wait3A_54] : memref<10240x128xf32, #tpu.memory_space<vmem_shared>> -> memref<128x128xf32, #tpu.memory_space<vmem_shared>>
        tpu.wait_dma2 semaphore(%run_scoped3A : memref<!tpu.dma_semaphore, #tpu.memory_space<semaphore_mem>>) src(%dma_wait3A_55 : memref<128x128xf32, #tpu.memory_space<vmem_shared>>) dst(%arg13 : memref<128x128xf32, #tpu.memory_space<vmem>>)
        tpu.yield
      }) : () -> ()
      %mul3A_45 = arith.constant 10240 : i32
      %mul3A_46 = arith.muli %arg0, %mul3A_45 : i32
      %add3A_47 = arith.addi %mul3A_46, %mul3A_4 : i32
      %add3A_48 = arith.addi %add3A_47, %add3A_43 : i32
      "tpu.region"() ({
        %run_scoped3A = tpu.sem_alloc : memref<!tpu.dma_semaphore, #tpu.memory_space<semaphore_mem>>
        %dma_start3A_49 = arith.constant 0 : i32
        %dma_start3A_50 = tpu.memref_slice %arg7[%add3A_48, %dma_start3A_49] : memref<20480x128xf32, #tpu.memory_space<hbm>> -> memref<128x128xf32, #tpu.memory_space<hbm>>
        %dma_start3A_51 = arith.constant 0 : i32
        %dma_start3A_52 = tpu.memref_slice %arg7[%add3A_48, %dma_start3A_51] : memref<20480x128xf32, #tpu.memory_space<hbm>> -> memref<128x128xf32, #tpu.memory_space<hbm>>
        tpu.enqueue_dma source(%arg13 : memref<128x128xf32, #tpu.memory_space<vmem>>) target(%dma_start3A_52 : memref<128x128xf32, #tpu.memory_space<hbm>>) target_semaphore(%run_scoped3A : memref<!tpu.dma_semaphore, #tpu.memory_space<semaphore_mem>>)
        %dma_wait3A = arith.constant 0 : i32
        %dma_wait3A_53 = tpu.memref_slice %arg7[%add3A_48, %dma_wait3A] : memref<20480x128xf32, #tpu.memory_space<hbm>> -> memref<128x128xf32, #tpu.memory_space<hbm>>
        %dma_wait3A_54 = arith.constant 0 : i32
        %dma_wait3A_55 = tpu.memref_slice %arg7[%add3A_48, %dma_wait3A_54] : memref<20480x128xf32, #tpu.memory_space<hbm>> -> memref<128x128xf32, #tpu.memory_space<hbm>>
        tpu.wait_dma2 semaphore(%run_scoped3A : memref<!tpu.dma_semaphore, #tpu.memory_space<semaphore_mem>>) src(%arg13 : memref<128x128xf32, #tpu.memory_space<vmem>>) dst(%dma_wait3A_55 : memref<128x128xf32, #tpu.memory_space<hbm>>)
        tpu.yield
      }) : () -> ()
    }
    %scan3A_38 = arith.constant 5 : i32
    return
  }
}

module attributes {stable_mosaic.version = 14 : i64} {
  func.func @tc_body(%arg0: i32, %arg1: memref<512x128xf32, #tpu.memory_space<vmem>>, %arg2: memref<512x128xf32, #tpu.memory_space<vmem>>, %arg3: memref<512x128xf32, #tpu.memory_space<vmem>>, %arg4: memref<512x128xf32, #tpu.memory_space<vmem>>, %arg5: memref<512x128xf32, #tpu.memory_space<vmem>>, %arg6: memref<128x128xf32, #tpu.memory_space<vmem>>, %arg7: memref<1x128xf32, #tpu.memory_space<vmem>>, %arg8: memref<128x128xf32, #tpu.memory_space<vmem>>, %arg9: memref<512x128xf32, #tpu.memory_space<vmem>>) attributes {dimension_semantics = [#tpu.dimension_semantics<arbitrary>], iteration_bounds = array<i64: 20>, scalar_prefetch = 0 : i64, scratch_operands = 0 : i64, tpu.core_type = #tpu.core_type<tc>, window_params = [{transform_indices = @transform_0, window_bounds = array<i64: 512, 128>}, {transform_indices = @transform_1, window_bounds = array<i64: 512, 128>}, {transform_indices = @transform_2, window_bounds = array<i64: 512, 128>}, {transform_indices = @transform_3, window_bounds = array<i64: 512, 128>}, {transform_indices = @transform_4, window_bounds = array<i64: 512, 128>}, {pipeline_mode = #tpu.pipeline_mode<synchronous>, transform_indices = @transform_5, window_bounds = array<i64: 128, 128>}, {pipeline_mode = #tpu.pipeline_mode<synchronous>, transform_indices = @transform_6, window_bounds = array<i64: 1, 128>}, {pipeline_mode = #tpu.pipeline_mode<synchronous>, transform_indices = @transform_7, window_bounds = array<i64: 128, 128>}, {transform_indices = @transform_8, window_bounds = array<i64: 512, 128>}]} {
    %get3A = arith.constant 0 : index
    %get3A_0 = arith.constant 0 : index
    %get3A_1 = vector.load %arg1[%get3A, %get3A_0] : memref<512x128xf32, #tpu.memory_space<vmem>>, vector<512x128xf32>
    %get3A_2 = arith.constant 0 : index
    %get3A_3 = arith.constant 0 : index
    %get3A_4 = vector.load %arg2[%get3A_2, %get3A_3] : memref<512x128xf32, #tpu.memory_space<vmem>>, vector<512x128xf32>
    %add3A = arith.addf %get3A_1, %get3A_4 : vector<512x128xf32>
    %get3A_5 = arith.constant 0 : index
    %get3A_6 = arith.constant 0 : index
    %get3A_7 = vector.load %arg3[%get3A_5, %get3A_6] : memref<512x128xf32, #tpu.memory_space<vmem>>, vector<512x1xf32>
    %get3A_8 = arith.constant 0 : index
    %get3A_9 = arith.constant 0 : index
    %get3A_10 = vector.load %arg4[%get3A_8, %get3A_9] : memref<512x128xf32, #tpu.memory_space<vmem>>, vector<512x1xf32>
    %add3A_11 = arith.addf %get3A_7, %get3A_10 : vector<512x1xf32>
    %max3A = arith.constant 1.000000e+00 : f32
    %max3A_12 = vector.broadcast %max3A : f32 to vector<512x1xf32>
    %max3A_13 = arith.maximumf %add3A_11, %max3A_12 : vector<512x1xf32>
    %div3A = vector.broadcast %max3A_13 : vector<512x1xf32> to vector<512x128xf32>
    %div3A_14 = arith.divf %add3A, %div3A : vector<512x128xf32>
    %get3A_15 = arith.constant 0 : index
    %get3A_16 = arith.constant 0 : index
    %get3A_17 = vector.load %arg6[%get3A_15, %get3A_16] : memref<128x128xf32, #tpu.memory_space<vmem>>, vector<128x128xf32>
    %dot_general3A = arith.constant dense<0.000000e+00> : vector<512x128xf32>
    %dot_general3A_18 = tpu.matmul %div3A_14, %get3A_17, %dot_general3A {dimension_numbers = #tpu.dot_dimension_numbers<[1], [1], [0], [0], [0, 0, 1, 0], [], []>, precision = #tpu.contract_precision<fp32>, transpose_lhs_hint = false} : vector<512x128xf32>, vector<128x128xf32>, vector<512x128xf32> -> vector<512x128xf32>
    %get3A_19 = arith.constant 0 : index
    %get3A_20 = arith.constant 0 : index
    %get3A_21 = vector.load %arg5[%get3A_19, %get3A_20] : memref<512x128xf32, #tpu.memory_space<vmem>>, vector<512x128xf32>
    %get3A_22 = arith.constant 0 : index
    %get3A_23 = arith.constant 0 : index
    %get3A_24 = vector.load %arg8[%get3A_22, %get3A_23] : memref<128x128xf32, #tpu.memory_space<vmem>>, vector<128x128xf32>
    %dot_general3A_25 = arith.constant dense<0.000000e+00> : vector<512x128xf32>
    %dot_general3A_26 = tpu.matmul %get3A_21, %get3A_24, %dot_general3A_25 {dimension_numbers = #tpu.dot_dimension_numbers<[1], [1], [0], [0], [0, 0, 1, 0], [], []>, precision = #tpu.contract_precision<fp32>, transpose_lhs_hint = false} : vector<512x128xf32>, vector<128x128xf32>, vector<512x128xf32> -> vector<512x128xf32>
    %add3A_27 = arith.addf %dot_general3A_18, %dot_general3A_26 : vector<512x128xf32>
    %get3A_28 = arith.constant 0 : index
    %get3A_29 = arith.constant 0 : index
    %get3A_30 = vector.load %arg7[%get3A_28, %get3A_29] : memref<1x128xf32, #tpu.memory_space<vmem>>, vector<1x128xf32>
    %add3A_31 = vector.broadcast %get3A_30 : vector<1x128xf32> to vector<512x128xf32>
    %add3A_32 = arith.addf %add3A_27, %add3A_31 : vector<512x128xf32>
    %max3A_33 = arith.constant 0.000000e+00 : f32
    %max3A_34 = vector.broadcast %max3A_33 : f32 to vector<512x128xf32>
    %max3A_35 = arith.maximumf %add3A_32, %max3A_34 : vector<512x128xf32>
    %swap3A = arith.constant 0 : index
    %swap3A_36 = arith.constant 0 : index
    %swap3A_37 = vector.load %arg9[%swap3A, %swap3A_36] : memref<512x128xf32, #tpu.memory_space<vmem>>, vector<512x128xf32>
    tpu.vector_store %arg9[%swap3A, %swap3A_36], %max3A_35 {strides = array<i32>} : memref<512x128xf32, #tpu.memory_space<vmem>>, vector<512x128xf32>,
    return
  }
  func.func @transform_0(%arg0: i32) -> (i32, i32) {
    %c0_i32 = arith.constant 0 : i32
    %c0_i32_0 = arith.constant 0 : i32
    return %arg0, %c0_i32 : i32, i32
  }
  func.func @transform_1(%arg0: i32) -> (i32, i32) {
    %add3A = arith.constant 20 : i32
    %add3A_0 = arith.addi %arg0, %add3A : i32
    %c0_i32 = arith.constant 0 : i32
    %c0_i32_1 = arith.constant 0 : i32
    return %add3A_0, %c0_i32 : i32, i32
  }
  func.func @transform_2(%arg0: i32) -> (i32, i32) {
    %c0_i32 = arith.constant 0 : i32
    %c0_i32_0 = arith.constant 0 : i32
    return %arg0, %c0_i32 : i32, i32
  }
  func.func @transform_3(%arg0: i32) -> (i32, i32) {
    %add3A = arith.constant 20 : i32
    %add3A_0 = arith.addi %arg0, %add3A : i32
    %c0_i32 = arith.constant 0 : i32
    %c0_i32_1 = arith.constant 0 : i32
    return %add3A_0, %c0_i32 : i32, i32
  }
  func.func @transform_4(%arg0: i32) -> (i32, i32) {
    %c0_i32 = arith.constant 0 : i32
    %c0_i32_0 = arith.constant 0 : i32
    return %arg0, %c0_i32 : i32, i32
  }
  func.func @transform_5(%arg0: i32) -> (i32, i32) {
    %c0_i32 = arith.constant 0 : i32
    %c0_i32_0 = arith.constant 0 : i32
    %c0_i32_1 = arith.constant 0 : i32
    return %c0_i32, %c0_i32_0 : i32, i32
  }
  func.func @transform_6(%arg0: i32) -> (i32, i32) {
    %c0_i32 = arith.constant 0 : i32
    %c0_i32_0 = arith.constant 0 : i32
    %c0_i32_1 = arith.constant 0 : i32
    return %c0_i32, %c0_i32_0 : i32, i32
  }
  func.func @transform_7(%arg0: i32) -> (i32, i32) {
    %c0_i32 = arith.constant 0 : i32
    %c0_i32_0 = arith.constant 0 : i32
    %c0_i32_1 = arith.constant 0 : i32
    return %c0_i32, %c0_i32_0 : i32, i32
  }
  func.func @transform_8(%arg0: i32) -> (i32, i32) {
    %c0_i32 = arith.constant 0 : i32
    %c0_i32_0 = arith.constant 0 : i32
    return %arg0, %c0_i32 : i32, i32
  }
}

module attributes {stable_mosaic.version = 14 : i64} {
  func.func @tc_body(%arg0: i32, %arg1: memref<512x128xf32, #tpu.memory_space<vmem>>, %arg2: memref<512x128xf32, #tpu.memory_space<vmem>>, %arg3: memref<512x128xf32, #tpu.memory_space<vmem>>, %arg4: memref<512x128xf32, #tpu.memory_space<vmem>>, %arg5: memref<512x128xf32, #tpu.memory_space<vmem>>, %arg6: memref<128x128xf32, #tpu.memory_space<vmem>>, %arg7: memref<1x128xf32, #tpu.memory_space<vmem>>, %arg8: memref<128x128xf32, #tpu.memory_space<vmem>>, %arg9: memref<512x128xf32, #tpu.memory_space<vmem>>) attributes {dimension_semantics = [#tpu.dimension_semantics<arbitrary>], iteration_bounds = array<i64: 20>, scalar_prefetch = 0 : i64, scratch_operands = 0 : i64, tpu.core_type = #tpu.core_type<tc>, window_params = [{transform_indices = @transform_0, window_bounds = array<i64: 512, 128>}, {transform_indices = @transform_1, window_bounds = array<i64: 512, 128>}, {transform_indices = @transform_2, window_bounds = array<i64: 512, 128>}, {transform_indices = @transform_3, window_bounds = array<i64: 512, 128>}, {transform_indices = @transform_4, window_bounds = array<i64: 512, 128>}, {pipeline_mode = #tpu.pipeline_mode<synchronous>, transform_indices = @transform_5, window_bounds = array<i64: 128, 128>}, {pipeline_mode = #tpu.pipeline_mode<synchronous>, transform_indices = @transform_6, window_bounds = array<i64: 1, 128>}, {pipeline_mode = #tpu.pipeline_mode<synchronous>, transform_indices = @transform_7, window_bounds = array<i64: 128, 128>}, {transform_indices = @transform_8, window_bounds = array<i64: 512, 128>}]} {
    %get3A = arith.constant 0 : index
    %get3A_0 = arith.constant 0 : index
    %get3A_1 = vector.load %arg1[%get3A, %get3A_0] : memref<512x128xf32, #tpu.memory_space<vmem>>, vector<512x128xf32>
    %get3A_2 = arith.constant 0 : index
    %get3A_3 = arith.constant 0 : index
    %get3A_4 = vector.load %arg2[%get3A_2, %get3A_3] : memref<512x128xf32, #tpu.memory_space<vmem>>, vector<512x128xf32>
    %add3A = arith.addf %get3A_1, %get3A_4 : vector<512x128xf32>
    %get3A_5 = arith.constant 0 : index
    %get3A_6 = arith.constant 0 : index
    %get3A_7 = vector.load %arg3[%get3A_5, %get3A_6] : memref<512x128xf32, #tpu.memory_space<vmem>>, vector<512x1xf32>
    %get3A_8 = arith.constant 0 : index
    %get3A_9 = arith.constant 0 : index
    %get3A_10 = vector.load %arg4[%get3A_8, %get3A_9] : memref<512x128xf32, #tpu.memory_space<vmem>>, vector<512x1xf32>
    %add3A_11 = arith.addf %get3A_7, %get3A_10 : vector<512x1xf32>
    %max3A = arith.constant 1.000000e+00 : f32
    %max3A_12 = vector.broadcast %max3A : f32 to vector<512x1xf32>
    %max3A_13 = arith.maximumf %add3A_11, %max3A_12 : vector<512x1xf32>
    %div3A = vector.broadcast %max3A_13 : vector<512x1xf32> to vector<512x128xf32>
    %div3A_14 = arith.divf %add3A, %div3A : vector<512x128xf32>
    %get3A_15 = arith.constant 0 : index
    %get3A_16 = arith.constant 0 : index
    %get3A_17 = vector.load %arg6[%get3A_15, %get3A_16] : memref<128x128xf32, #tpu.memory_space<vmem>>, vector<128x128xf32>
    %dot_general3A = arith.constant dense<0.000000e+00> : vector<512x128xf32>
    %dot_general3A_18 = tpu.matmul %div3A_14, %get3A_17, %dot_general3A {dimension_numbers = #tpu.dot_dimension_numbers<[1], [1], [0], [0], [0, 0, 1, 0], [], []>, precision = #tpu.contract_precision<fp32>, transpose_lhs_hint = false} : vector<512x128xf32>, vector<128x128xf32>, vector<512x128xf32> -> vector<512x128xf32>
    %get3A_19 = arith.constant 0 : index
    %get3A_20 = arith.constant 0 : index
    %get3A_21 = vector.load %arg5[%get3A_19, %get3A_20] : memref<512x128xf32, #tpu.memory_space<vmem>>, vector<512x128xf32>
    %get3A_22 = arith.constant 0 : index
    %get3A_23 = arith.constant 0 : index
    %get3A_24 = vector.load %arg8[%get3A_22, %get3A_23] : memref<128x128xf32, #tpu.memory_space<vmem>>, vector<128x128xf32>
    %dot_general3A_25 = arith.constant dense<0.000000e+00> : vector<512x128xf32>
    %dot_general3A_26 = tpu.matmul %get3A_21, %get3A_24, %dot_general3A_25 {dimension_numbers = #tpu.dot_dimension_numbers<[1], [1], [0], [0], [0, 0, 1, 0], [], []>, precision = #tpu.contract_precision<fp32>, transpose_lhs_hint = false} : vector<512x128xf32>, vector<128x128xf32>, vector<512x128xf32> -> vector<512x128xf32>
    %add3A_27 = arith.addf %dot_general3A_18, %dot_general3A_26 : vector<512x128xf32>
    %get3A_28 = arith.constant 0 : index
    %get3A_29 = arith.constant 0 : index
    %get3A_30 = vector.load %arg7[%get3A_28, %get3A_29] : memref<1x128xf32, #tpu.memory_space<vmem>>, vector<1x128xf32>
    %add3A_31 = vector.broadcast %get3A_30 : vector<1x128xf32> to vector<512x128xf32>
    %add3A_32 = arith.addf %add3A_27, %add3A_31 : vector<512x128xf32>
    %swap3A = arith.constant 0 : index
    %swap3A_33 = arith.constant 0 : index
    %swap3A_34 = vector.load %arg9[%swap3A, %swap3A_33] : memref<512x128xf32, #tpu.memory_space<vmem>>, vector<512x128xf32>
    tpu.vector_store %arg9[%swap3A, %swap3A_33], %add3A_32 {strides = array<i32>} : memref<512x128xf32, #tpu.memory_space<vmem>>, vector<512x128xf32>,
    return
  }
  func.func @transform_0(%arg0: i32) -> (i32, i32) {
    %c0_i32 = arith.constant 0 : i32
    %c0_i32_0 = arith.constant 0 : i32
    return %arg0, %c0_i32 : i32, i32
  }
  func.func @transform_1(%arg0: i32) -> (i32, i32) {
    %add3A = arith.constant 20 : i32
    %add3A_0 = arith.addi %arg0, %add3A : i32
    %c0_i32 = arith.constant 0 : i32
    %c0_i32_1 = arith.constant 0 : i32
    return %add3A_0, %c0_i32 : i32, i32
  }
  func.func @transform_2(%arg0: i32) -> (i32, i32) {
    %c0_i32 = arith.constant 0 : i32
    %c0_i32_0 = arith.constant 0 : i32
    return %arg0, %c0_i32 : i32, i32
  }
  func.func @transform_3(%arg0: i32) -> (i32, i32) {
    %add3A = arith.constant 20 : i32
    %add3A_0 = arith.addi %arg0, %add3A : i32
    %c0_i32 = arith.constant 0 : i32
    %c0_i32_1 = arith.constant 0 : i32
    return %add3A_0, %c0_i32 : i32, i32
  }
  func.func @transform_4(%arg0: i32) -> (i32, i32) {
    %c0_i32 = arith.constant 0 : i32
    %c0_i32_0 = arith.constant 0 : i32
    return %arg0, %c0_i32 : i32, i32
  }
  func.func @transform_5(%arg0: i32) -> (i32, i32) {
    %c0_i32 = arith.constant 0 : i32
    %c0_i32_0 = arith.constant 0 : i32
    %c0_i32_1 = arith.constant 0 : i32
    return %c0_i32, %c0_i32_0 : i32, i32
  }
  func.func @transform_6(%arg0: i32) -> (i32, i32) {
    %c0_i32 = arith.constant 0 : i32
    %c0_i32_0 = arith.constant 0 : i32
    %c0_i32_1 = arith.constant 0 : i32
    return %c0_i32, %c0_i32_0 : i32, i32
  }
  func.func @transform_7(%arg0: i32) -> (i32, i32) {
    %c0_i32 = arith.constant 0 : i32
    %c0_i32_0 = arith.constant 0 : i32
    %c0_i32_1 = arith.constant 0 : i32
    return %c0_i32, %c0_i32_0 : i32, i32
  }
  func.func @transform_8(%arg0: i32) -> (i32, i32) {
    %c0_i32 = arith.constant 0 : i32
    %c0_i32_0 = arith.constant 0 : i32
    return %arg0, %c0_i32 : i32, i32
  }
}

</mosaic_0001>

<sc_bundles>
// kernel: kernel.6.cloned.1.call-start
scs
__scs_entry_jumppad:
0x0: {  	(pc) =	sbr.rel $0x88, $3  }
0x1: {  	(tag) =	ssettag $0x0;
	lr =	simm.s32 $0x1  }
0x2: {  	[smem:$0x3F99] =	sst lr;
	_ =	strace $0xD0000000  }
0x3: {  	_ = 	snop  }
0x4: {  	_ = 	snop  }
0x5: {  	_ = 	snop  }
0x6: {  	_ = 	snop  }
0x7: {  	_ = 	snop  }
__scs_overlays_trampoline_lowered:
0x8: {  	[smem:$0x3FA8] =	sst s0  }
0x9: {  	[smem:$0x3FA9] =	sst s1  }
0xa: {  	[smem:$0x3FAA] =	sst s2  }
0xb: {  	[smem:$0x3FAB] =	sst s3  }
0xc: {  	[smem:$0x3FAC] =	sst s4  }
0xd: {  	[smem:$0x3FAD] =	sst s5  }
0xe: {  	[smem:$0x3FAE] =	sst s6  }
0xf: {  	[smem:$0x3FAF] =	sst s7  }
0x10: {  	[smem:$0x3FB0] =	sst s8  }
0x11: {  	[smem:$0x3FB1] =	sst s9;
	s0 =	simm.s32 @!p0 $0x0  }
0x12: {  	s1 =	sld [smem:$0x3F97];
	s0 =	simm.s32 @p0 $0x1  }
0x13: {  	[smem:$0x3FB2] =	sst s0;
	s0 =	simm.s32 @!p1 $0x0  }
0x14: {  	s2 =	sld [smem:$0x3F96];
	s0 =	simm.s32 @p1 $0x1  }
0x15: {  	[smem:$0x3FB3] =	sst s0;
	s0 =	simm.s32 @!p2 $0x0  }
0x16: {  	s3 =	sld [smem:$0x3FDB];
	s0 =	simm.s32 @p2 $0x1  }
0x17: {  	s4 =	simm.s32 $0x1BF5;
	[smem:$0x3FB5] =	sst s0  }
0x18: {  	s0 =	sld [smem:$0x3F98];
	_ =	swait.ge [sflag:s4], $0x0  }
0x19: {  	s7 =	sld [smem:$0x3F99]  }
0x1a: {  	s8 =	sadd.s32 $0xFFFFE003, lr  }
0x1b: {  	s9 =	sadd.s32 $0xFFFFFEF7, lr;
	s5 =	simm.s32 $0xFFFFFFFF;
	p2 =	slt.u32 s8, $0xFFFFF086  }
0x1c: {  	p1 =	slt.u32 s9, $0xF7A;
	s5 =	simm.s32 @!p2 $0x0  }
0x1d: {  	s5 =	simm.s32 @p1 $0x1;
	p0 =	seq.s32 s7, s2  }
0x1e: {  	s7 =	smul.u32 @!p0 $0xF7A, s2;
	p2 =	seq.s32 @!p0 s5, $0x0  }
0x1f: {  	s9 =	smul.u32 $0xF7A, s1;
	s8 =	simm.s32 @!p0 $0x1BF5;
	p2 =	por !p2, p0  }
0x20: {  	[sflag:s8] =	ssyncset.s32 @!p0 $0xFFFFF086;
	s6 =	sadd.s32 @!p0 s3, s7;
	s7 =	simm.s32 @!p0 $0x108  }
0x21: {  	s3 =	sadd.s32 s3, s9;
	s6 =	sadd.s32 @!p0 $0x88, s6;
	s7 =	simm.s32 @p2 $0x1082  }
0x22: {  	[simem:s7], [sflag:s8] =	dma.local @!p0 [hbm:s6], $0xF7A  }
0x23: {  	s9 =	sor.u32 $0xD0000000, s2;
	s6 =	simm.s32 $0x108;
	_ =	swait.ge @!p0 [sflag:s8], $0x0  }
0x24: {  	s3 =	sadd.s32 $0x88, s3;
	s6 =	simm.s32 @!p1 $0x1082;
	[sflag:s4] =	ssyncset.s32 $0xFFFFF086  }
0x25: {  	[simem:s6], [sflag:s4] =	dma.local [hbm:s3], $0xF7A  }
0x26: {  	[smem:$0x3F99] =	sst s1;
	(tag) =	ssettag s2;
	_ =	strace s9  }
0x27: {  	s1 =	sld [smem:$0x3FA9]  }
0x28: {  	s2 =	sld [smem:$0x3FAA]  }
0x29: {  	s4 =	sld [smem:$0x3FAC]  }
0x2a: {  	p0 =	seq.s32 s5, $0x0;
	s5 =	sld [smem:$0x3FAD]  }
0x2b: {  	s6 =	sld [smem:$0x3FAE]  }
0x2c: {  	s7 =	sld [smem:$0x3FAF]  }
0x2d: {  	s3 =	simm.s32 $0x108;
	s8 =	sld [smem:$0x3FB0]  }
0x2e: {  	s3 =	simm.s32 @!p0 $0x1082;
	s9 =	sld [smem:$0x3FB1]  }
0x2f: {  	lr =	sadd.s32 s0, s3;
	s0 =	sld [smem:$0x3FA8]  }
0x30: {  	s3 =	sld [smem:$0x3FAB]  }
0x31: {  	[smem:$0x3FB4] =	sst s10  }
0x32: {  	s10 =	sld [smem:$0x3FB2];
	_ =	sdelay $0x3  }
0x33: {  	p0 =	seq.s32 s10, $0x1;
	s10 =	sld [smem:$0x3FB4];
	_ =	sdelay $0x3  }
0x34: {  	[smem:$0x3FB4] =	sst s10  }
0x35: {  	s10 =	sld [smem:$0x3FB3];
	_ =	sdelay $0x3  }
0x36: {  	p1 =	seq.s32 s10, $0x1;
	s10 =	sld [smem:$0x3FB4];
	_ =	sdelay $0x3  }
0x37: {  	[smem:$0x3FB4] =	sst s10  }
0x38: {  	s10 =	sld [smem:$0x3FB5]  }
0x39: {  	_ = 	snop;
	(pc) =	sbr.ind lr, $3  }
0x3a: {  	_ = 	snop  }
0x3b: {  	_ = 	snop  }
0x3c: {  	p2 =	seq.s32 s10, $0x1;
	s10 =	sld [smem:$0x3FB4]  }
0x3d: {  	_ =	shalt  }
0x3e: {  	_ =	shalt  }
0x3f: {  	_ =	shalt  }
0x40: {  	_ =	shalt  }
0x41: {  	_ =	shalt  }
0x42: {  	_ =	shalt  }
0x43: {  	_ =	shalt  }
0x44: {  	_ =	shalt  }
0x45: {  	_ =	shalt  }
0x46: {  	_ =	shalt  }
0x47: {  	_ =	shalt  }
0x48: {  	_ =	shalt  }
0x49: {  	_ =	shalt  }
0x4a: {  	_ =	shalt  }
0x4b: {  	_ =	shalt  }
0x4c: {  	_ =	shalt  }
0x4d: {  	_ =	shalt  }
0x4e: {  	_ =	shalt  }
0x4f: {  	_ =	shalt  }
0x50: {  	_ =	shalt  }
0x51: {  	_ =	shalt  }
0x52: {  	_ =	shalt  }
0x53: {  	_ =	shalt  }
0x54: {  	_ =	shalt  }
0x55: {  	_ =	shalt  }
0x56: {  	_ =	shalt  }
0x57: {  	_ =	shalt  }
0x58: {  	_ =	shalt  }
0x59: {  	_ =	shalt  }
0x5a: {  	_ =	shalt  }
0x5b: {  	_ =	shalt  }
0x5c: {  	_ =	shalt  }
0x5d: {  	_ =	shalt  }
0x5e: {  	_ =	shalt  }
0x5f: {  	_ =	shalt  }
0x60: {  	_ =	shalt  }
0x61: {  	_ =	shalt  }
0x62: {  	_ =	shalt  }
0x63: {  	_ =	shalt  }
0x64: {  	_ =	shalt  }
0x65: {  	_ =	shalt  }
0x66: {  	_ =	shalt  }
0x67: {  	_ =	shalt  }
0x68: {  	_ =	shalt  }
0x69: {  	_ =	shalt  }
0x6a: {  	_ =	shalt  }
0x6b: {  	_ =	shalt  }
0x6c: {  	_ =	shalt  }
0x6d: {  	_ =	shalt  }
0x6e: {  	_ =	shalt  }
0x6f: {  	_ =	shalt  }
0x70: {  	_ =	shalt  }
0x71: {  	_ =	shalt  }
0x72: {  	_ =	shalt  }
0x73: {  	_ =	shalt  }
0x74: {  	_ =	shalt  }
0x75: {  	_ =	shalt  }
0x76: {  	_ =	shalt  }
0x77: {  	_ =	shalt  }
0x78: {  	_ =	shalt  }
0x79: {  	_ =	shalt  }
0x7a: {  	_ =	shalt  }
0x7b: {  	_ =	shalt  }
0x7c: {  	_ =	shalt  }
0x7d: {  	_ =	shalt  }
0x7e: {  	_ =	shalt  }
0x7f: {  	_ =	shalt  }
0x80: {  	_ =	shalt  }
0x81: {  	_ =	shalt  }
0x82: {  	_ =	shalt  }
0x83: {  	_ =	shalt  }
0x84: {  	_ =	shalt  }
0x85: {  	_ =	shalt  }
0x86: {  	_ =	shalt  }
0x87: {  	_ =	shalt  }
.Lfunc_end0:
.L_simem_size_0:
called_computation_lowered:
.L_overlay_start_0:
0x88: {  	s2 =	sld [smem:$0x3FD9]  }
0x89: {  	s3 =	sld [smem:$0x3FFE];
	_ =	sdelay $0x1  }
0x8a: {  	s1 =	srdreg.scid  }
0x8b: {  	s0 =	sand.u32 $0x1, s1  }
0x8c: {  	s17 =	sshll.u32 s0, $0xA;
	s2 =	sadd.s32 s3, s2  }
0x8d: {  	s2 =	sadd.s32 s2, s17  }
0x8e: {  	[smem:$0x3FC0] =	sst s2  }
0x8f: {  	_ = 	snop  }
0x90: {  	s2 =	sld [smem:$0x3FD0];
	(tm) =	ssettm $0x1  }
0x91: {  	s18 =	sld [smem:$0x3FFB];
	_ =	sdelay $0x3  }
0x92: {  	_ =	strace s18  }
0x93: {  	s3 =	sld [smem:$0x3FFC];
	_ =	sdelay $0x3  }
0x94: {  	_ =	strace s3  }
0x95: {  	s3 =	sld [smem:$0x3FFD];
	_ =	sdelay $0x3  }
0x96: {  	_ =	strace s3  }
0x97: {  	_ =	strace $0x8FFFFFFF  }
0x98: {  	s19 =	sld [smem:$0x3FDB];
	_ =	sdelay $0x1  }
0x99: {  	s4 =	simm.s32 $_scs_section_size  }
0x9a: {  	s5 =	simm.s32 $_size__tile_overlayer_lowered;
	s6 =	simm.s32 $_tile_overlayer_lowered  }
0x9b: {  	s22 =	simm.s32 $0x1BFF;
	s21 =	sshll.u32 s6, $0x1;
	s3 =	sadd.s32 s4, s19  }
0x9c: {  	s7 =	simm.s32 $0x0;
	s20 =	sshll.u32 s5, $0x1;
	s5 =	sadd.s32 s21, s3  }
0x9d: {  	[timem:s7], [sflag:s22] =	dma.local [hbm:s5], s20  }
0x9e: {  	_ =	swait.ge [sflag:s22], s20  }
0x9f: {  	s4 =	ssub.s32 $0x0, s20;
	[sflag:s22] =	ssyncset.done $0x0  }
0xa0: {  	[sflag:s22] =	ssyncadd.s32 s4;
	_ =	sdelay $0x1  }
0xa1: {  	s23 =	simm.s32 $0x1B8B  }
0xa2: {  	_ =	swait.ge [sflag:s23], $0x1  }
0xa3: {  	[sflag:s23] =	ssyncset.done $0x0  }
0xa4: {  	s25 =	simm.s32 $0x1B8E;
	s24 =	sld [smem:$0x3FFE];
	[sflag:s23] =	ssyncadd.s32 $0xFFFFFFFF  }
0xa5: {  	s26 =	simm.s32 $execute0_lowered;
	[smem:$0x3FD2] =	sst s25  }
0xa6: {  	s5 =	sshll.u32 s26, $0x1;
	_ =	strace $0x80000046;
	[dreg:$0x1] =	wrdreg $0xFFFFFFFF  }
0xa7: {  	s28 =	simm.s32 $_size_execute0_lowered;
	s3 =	sadd.s32 s3, s5;
	[dreg:$0x0] =	wrdreg $0x0  }
0xa8: {  	s5 =	sshll.u32 s28, $0x1;
	[dreg:$0x2] =	wrdreg s3  }
0xa9: {  	[dreg:$0x3] =	wrdreg s5  }
0xaa: {  	[dreg:$0x4] =	wrdreg $0xC0  }
0xab: {  	_ =	task [dreg:s7], $0x5FFFF  }
0xac: {  	[dreg:$0x1] =	wrdreg $0xFFFFFFFF  }
0xad: {  	[dreg:$0x0] =	wrdreg $0x60  }
0xae: {  	[dreg:$0x2] =	wrdreg s24  }
0xaf: {  	[dreg:$0x3] =	wrdreg s2  }
0xb0: {  	[dreg:$0x4] =	wrdreg $0x82000  }
0xb1: {  	[dreg:$0x5] =	wrdreg $0x9  }
0xb2: {  	_ =	task.clear_ibuf [dreg:s7], $0x6FFFF;
	_ =	strace $0x90000046  }
0xb3: {  	s29 =	simm.s32 $0x9;
	_ =	strace $0x80000048  }
0xb4: {  	_ =	swait.ge [sflag:s29], $0x1  }
0xb5: {  	[sflag:s29] =	ssyncadd.s32 $0xFFFFFFFF  }
0xb6: {  	_ =	strace $0x90000048  }
0xb7: {  	_ =	sfence  }
0xb8: {  	s30 =	sld [smem:$0x0];
	_ =	sdelay $0x2  }
0xb9: {  	s31 =	sshll.u32 s1, $0xD;
	s1 =	sshrl.u32 s1, $0x2  }
0xba: {  	s3 =	sand.u32 $0x4000, s31;
	s1 =	sadd.s32 s1, s30  }
0xbb: {  	s0 =	sor.u32 s3, s0;
	s1 =	sshll.u32 s1, $0x11  }
0xbc: {  	s0 =	sor.u32 s1, s0  }
0xbd: {  	s0 =	sadd.s32 $0x8F2B, s0  }
0xbe: {  	[sflag:s0] =	ssyncadd.remote.s32 $0x1  }
0xbf: {  	_ =	sfence.sel $0xFFFF  }
0xc0: {  	[dreg:$0x0] =	wrdreg $0xFFFFFFFF;
	(pc) =	sbr.abs _section_cstart, $3  }
0xc1: {  	[dreg:$0x1] =	wrdreg $0xFFFFFFFF  }
0xc2: {  	_ =	task.clear_ibuf [dreg:s7], $0x2FFFF;
	_ =	strace $0x9FFFFFFF  }
0xc3: {  	(tm) =	ssettm $0x7FFFFFFF  }
tec
execute0_lowered:
.L_overlay_start_1:
0x0: {  	(tag) =	ssettag $0x1  }
0x1: {  	s0 =	rddreg [dreg:$0x0];
	s1 =	srdreg.scid  }
0x2: {  	s14 =	stileid.u32;
	s3 =	rddreg [dreg:$0x1]  }
0x3: {  	s4 =	sand.u32 $0x1, s1;
	s5 =	sshll.u32 s14, $0x1;
	s9 =	smul.u32 $0x280, s14  }
0x4: {  	s5 =	sor.u32 s4, s5;
	s8 =	ssub.s32 $0x2, s4;
	s4 =	smul.u32 $0x2800, s4  }
0x5: {  	s2 =	simm.s32 $0x0;
	s1 =	rddreg [dreg:$0x2];
	s5 =	smul.u32 $0x2800, s5  }
0x6: {  	[smem:$0x7FF] =	sst s2;
	s6 =	sadd.s32 $0x2200, s0  }
0x7: {  	s7 =	sadd.s32 $0x35200, s0;
	s9 =	sadd.s32 s4, s9;
	s5 =	sshrl.u32 s5, $0x3  }
0x8: {  	s10 =	sadd.s32 $0x85200, s0;
	s25 =	sshll.u32 s9, $0x4;
	s12 =	sadd.s32 s3, s5  }
0x9: {  	s23 =	sadd.s32 $0x4F0, s5;
	s5 =	sadd.s32 s6, s5;
	[dreg:$0x4] =	wrdreg s12  }
0xa: {  	s11 =	sshrl.u32 s8, $0x1;
	s9 =	sadd.s32 s10, s25;
	[dreg:$0x5] =	wrdreg s5  }
0xb: {  	s26 =	sadd.s32 $0x800, s25;
	s24 =	sadd.s32 s3, s23;
	[dreg:$0x7] =	wrdreg s9  }
0xc: {  	s13 =	sadd.s32 $0x1000, s25;
	s15 =	sadd.s32 s10, s26;
	[dreg:$0x6] =	wrdreg s24  }
0xd: {  	s18 =	sadd.s32 $0x1800, s25;
	s17 =	sadd.s32 s10, s13;
	[dreg:$0x8] =	wrdreg s15  }
0xe: {  	s19 =	sadd.s32 $0x2000, s25;
	s16 =	sadd.s32 s10, s18;
	[dreg:$0x9] =	wrdreg s17  }
0xf: {  	s8 =	ssub.s32 s8, s11;
	s10 =	sadd.s32 s10, s19;
	[dreg:$0xa] =	wrdreg s16  }
0x10: {  	s11 =	smul.u32 $0x50000, s14;
	s20 =	sadd.s32 s6, s23;
	[dreg:$0xb] =	wrdreg s10  }
0x11: {  	s28 =	smax.u32 s8, $0x1;
	s5 =	sadd.s32 s7, s25;
	[dreg:$0xc] =	wrdreg s20  }
0x12: {  	s8 =	simm.s32 $0x1;
	s21 =	sadd.s32 s7, s26;
	[dreg:$0xd] =	wrdreg s5  }
0x13: {  	s22 =	sadd.s32 s7, s13;
	s23 =	sadd.s32 s7, s18;
	[dreg:$0xe] =	wrdreg s21  }
0x14: {  	s26 =	sshrl.u32 s11, $0x2;
	s9 =	simm.s32 $0x2;
	[dreg:$0xf] =	wrdreg s22  }
0x15: {  	s17 =	smul.u32 $0x5000, s14;
	[dreg:$0x10] =	wrdreg s23;
	s16 =	sadd.s32 s7, s19  }
0x16: {  	s23 =	sadd.s32 s26, s1;
	s26 =	sadd.s32 $0x34A00, s0;
	s7 =	simm.s32 $0x4200  }
0x17: {  	s10 =	simm.s32 $0x0;
	_ =	strace $0x80000047;
	s29 =	sadd.s32 $0x4000, s23  }
0x18: {  	s30 =	sadd.s32 $0x8000, s23;
	s31 =	sadd.s32 $0xC000, s23;
	s4 =	sadd.s32 s4, s17  }
0x19: {  	s17 =	sadd.s32 $0x10000, s23;
	s24 =	sor.u32 $0x100, s4;
	s25 =	sshrl.u32 s4, $0x3  }
0x1a: {  	s4 =	sor.u32 $0x80, s4;
	s5 =	sshrl.u32 s24, $0x3;
	s18 =	sadd.s32 s25, s6  }
0x1b: {  	s4 =	sshrl.u32 s4, $0x3;
	s24 =	sadd.s32 $0xC200, s0;
	s25 =	sadd.s32 $0x34200, s0  }
0x1c: {  	s0 =	simm.s32 $0x200;
	s19 =	sadd.s32 s5, s6;
	s20 =	sadd.s32 s5, s3  }
0x1d: {  	s21 =	sadd.s32 s4, s6;
	s22 =	sadd.s32 s4, s3;
	s3 =	simm.s32 $0x3  }
0x1e: {  	s4 =	simm.s32 $0x80;
	s5 =	simm.s32 $0x100;
	s6 =	simm.s32 $0x180  }
.LBB2_1:
0x1f: {  	[tilespmem:s0], [sflag:$0x3] =	stream.linear.gather [hbm4b:s25+s2], $0x4000, $0x38;
	[tilespmem:$0x1C200] =	vst v63  }
0x20: {  	_ =	swait.ge [sflag:s3], $0x4000  }
0x21: {  	[sflag:s3] =	ssyncset.done $0x0  }
0x22: {  	[sflag:s3] =	ssyncadd.s32 $0xFFFFC000  }
0x23: {  	[spmem:s23] =	stream.linear.scatter [tilespmem:s0], [sflag:$0x3], $0x4000, $0x38;
	[tilespmem:$0x1C200] =	vst v63  }
0x24: {  	_ =	swait.ge [sflag:s3], $0x4000  }
0x25: {  	[sflag:s3] =	ssyncset.done $0x0  }
0x26: {  	[sflag:s3] =	ssyncadd.s32 $0xFFFFC000  }
0x27: {  	[spmem:s29] =	stream.linear.scatter [tilespmem:s0], [sflag:$0x3], $0x4000, $0x38;
	[tilespmem:$0x1C200] =	vst v63  }
0x28: {  	_ =	swait.ge [sflag:s3], $0x4000  }
0x29: {  	[sflag:s3] =	ssyncset.done $0x0  }
0x2a: {  	[sflag:s3] =	ssyncadd.s32 $0xFFFFC000  }
0x2b: {  	[spmem:s30] =	stream.linear.scatter [tilespmem:s0], [sflag:$0x3], $0x4000, $0x38;
	[tilespmem:$0x1C200] =	vst v63  }
0x2c: {  	_ =	swait.ge [sflag:s3], $0x4000  }
0x2d: {  	[sflag:s3] =	ssyncset.done $0x0  }
0x2e: {  	[sflag:s3] =	ssyncadd.s32 $0xFFFFC000  }
0x2f: {  	[spmem:s31] =	stream.linear.scatter [tilespmem:s0], [sflag:$0x3], $0x4000, $0x38;
	[tilespmem:$0x1C200] =	vst v63  }
0x30: {  	_ =	swait.ge [sflag:s3], $0x4000  }
0x31: {  	[sflag:s3] =	ssyncset.done $0x0  }
0x32: {  	[sflag:s3] =	ssyncadd.s32 $0xFFFFC000  }
0x33: {  	[spmem:s17] =	stream.linear.scatter [tilespmem:s0], [sflag:$0x3], $0x4000, $0x38;
	[tilespmem:$0x1C200] =	vst v63  }
0x34: {  	_ =	swait.ge [sflag:s3], $0x4000  }
0x35: {  	[sflag:s3] =	ssyncset.done $0x0  }
0x36: {  	[sflag:s3] =	ssyncadd.s32 $0xFFFFC000  }
0x37: {  	[tilespmem:s0], [sflag:$0x3] =	stream.linear.gather [hbm4b:s26+s2], $0x4000, $0x38;
	[tilespmem:$0x1C200] =	vst v63  }
0x38: {  	_ =	swait.ge [sflag:s3], $0x4000  }
0x39: {  	[sflag:s3] =	ssyncset.done $0x0  }
0x3a: {  	[sflag:s3] =	ssyncadd.s32 $0xFFFFC000  }
0x3b: {  	s11 =	sadd.s32 $0x0, s18;
	[bflag:$0x0] =	sbarrier.arrive $0xFFFF  }
0x3c: {  	[tilespmem:s4], [sflag:$0x3] =	stream.linear.gather [hbm4b:s11+s2], $0x80, $0x38;
	[tilespmem:$0x1C200] =	vst v63  }
0x3d: {  	_ =	swait.ge [sflag:s3], $0x80  }
0x3e: {  	[sflag:s3] =	ssyncset.done $0x0  }
0x3f: {  	[sflag:s3] =	ssyncadd.s32 $0xFFFFFF80  }
0x40: {  	[spmem:s1] =	stream.indirect.scatter.add.f32 [tilespmem:s0], [sflag:$0x3], $0x80, s4, s4, $0xb8;
	[tilespmem:$0x1C200] =	vst v63  }
0x41: {  	_ =	swait.ge [sflag:s3], $0x4000  }
0x42: {  	s12 =	simm.s32 $0x20;
	s11 =	simm.s32 $0x10;
	[sflag:s3] =	ssyncset.done $0x0  }
.LBB2_2:
0x43: {  	s13 =	sadd.s32 s11, s18  }
0x44: {  	[sflag:s3] =	ssyncadd.s32 $0xFFFFC000;
	s11 =	smov.u32 s12;
	s14 =	sadd.s32 $0x10, s12  }
0x45: {  	[tilespmem:s4], [sflag:$0x3] =	stream.linear.gather [hbm4b:s13+s2], $0x80, $0x38;
	[tilespmem:$0x1C200] =	vst v63  }
0x46: {  	p0 =	sne.s32 s12, $0x4F0;
	_ =	swait.ge [sflag:s3], $0x80  }
.Ltmp0:
0x47: {  	[sflag:s3] =	ssyncset.done $0x0;
	(pc) =	sbr.rel @p0 .LBB2_2-.Ltmp0, $4  }
0x48: {  	[sflag:s3] =	ssyncadd.s32 $0xFFFFFF80  }
0x49: {  	[spmem:s1] =	stream.indirect.scatter.add.f32 [tilespmem:s0], [sflag:$0x3], $0x80, s4, s4, $0xb8;
	[tilespmem:$0x1C200] =	vst v63  }
0x4a: {  	_ =	swait.ge [sflag:s3], $0x4000  }
0x4b: {  	s12 =	smov.u32 s14;
	[sflag:s3] =	ssyncset.done $0x0  }
0x4c: {  	s11 =	sadd.s32 s11, s18;
	[sflag:s3] =	ssyncadd.s32 $0xFFFFC000  }
0x4d: {  	[tilespmem:s4], [sflag:$0x3] =	stream.linear.gather [hbm4b:s11+s2], $0x80, $0x38;
	[tilespmem:$0x1C200] =	vst v63  }
0x4e: {  	_ =	swait.ge [sflag:s3], $0x80  }
0x4f: {  	[sflag:s3] =	ssyncset.done $0x0  }
0x50: {  	[sflag:s3] =	ssyncadd.s32 $0xFFFFFF80  }
0x51: {  	[spmem:s1] =	stream.indirect.scatter.add.f32 [tilespmem:s0], [sflag:$0x3], $0x80, s4, s4, $0xb8;
	[tilespmem:$0x1C200] =	vst v63  }
0x52: {  	_ =	swait.ge [sflag:s3], $0x4000  }
0x53: {  	[sflag:s3] =	ssyncset.done $0x0  }
0x54: {  	[sflag:s3] =	ssyncadd.s32 $0xFFFFC000  }
0x55: {  	[bflag:$0x0] =	sbarrier.arrive $0xFFFF  }
0x56: {  	[tilespmem:s0], [sflag:$0x3] =	stream.linear.gather [spmem:s23], $0x4000, $0x38;
	[tilespmem:$0x1C200] =	vst v63  }
0x57: {  	_ =	swait.ge [sflag:s3], $0x4000  }
0x58: {  	[sflag:s3] =	ssyncset.done $0x0  }
0x59: {  	s11 =	simm.s32 $0x0;
	s12 =	rddreg [dreg:$0x7];
	[sflag:s3] =	ssyncadd.s32 $0xFFFFC000  }
0x5a: {  	[hbm4b:s12+s11] =	stream.linear.scatter [tilespmem:s0], [sflag:$0x3], $0x4000, $0x38;
	[tilespmem:$0x1C200] =	vst v63  }
0x5b: {  	_ =	swait.ge [sflag:s3], $0x4000  }
0x5c: {  	[sflag:s3] =	ssyncset.done $0x0  }
0x5d: {  	[sflag:s3] =	ssyncadd.s32 $0xFFFFC000  }
0x5e: {  	[tilespmem:s0], [sflag:$0x3] =	stream.linear.gather [spmem:s29], $0x4000, $0x38;
	[tilespmem:$0x1C200] =	vst v63  }
0x5f: {  	_ =	swait.ge [sflag:s3], $0x4000  }
0x60: {  	[sflag:s3] =	ssyncset.done $0x0  }
0x61: {  	s13 =	rddreg [dreg:$0x8];
	[sflag:s3] =	ssyncadd.s32 $0xFFFFC000  }
0x62: {  	[hbm4b:s13+s11] =	stream.linear.scatter [tilespmem:s0], [sflag:$0x3], $0x4000, $0x38;
	[tilespmem:$0x1C200] =	vst v63  }
0x63: {  	_ =	swait.ge [sflag:s3], $0x4000  }
0x64: {  	[sflag:s3] =	ssyncset.done $0x0  }
0x65: {  	[sflag:s3] =	ssyncadd.s32 $0xFFFFC000  }
0x66: {  	[tilespmem:s0], [sflag:$0x3] =	stream.linear.gather [spmem:s30], $0x4000, $0x38;
	[tilespmem:$0x1C200] =	vst v63  }
0x67: {  	_ =	swait.ge [sflag:s3], $0x4000  }
0x68: {  	[sflag:s3] =	ssyncset.done $0x0  }
0x69: {  	s14 =	rddreg [dreg:$0x9];
	[sflag:s3] =	ssyncadd.s32 $0xFFFFC000  }
0x6a: {  	[hbm4b:s14+s11] =	stream.linear.scatter [tilespmem:s0], [sflag:$0x3], $0x4000, $0x38;
	[tilespmem:$0x1C200] =	vst v63  }
0x6b: {  	_ =	swait.ge [sflag:s3], $0x4000  }
0x6c: {  	[sflag:s3] =	ssyncset.done $0x0  }
0x6d: {  	[sflag:s3] =	ssyncadd.s32 $0xFFFFC000  }
0x6e: {  	[tilespmem:s0], [sflag:$0x3] =	stream.linear.gather [spmem:s31], $0x4000, $0x38;
	[tilespmem:$0x1C200] =	vst v63  }
0x6f: {  	_ =	swait.ge [sflag:s3], $0x4000  }
0x70: {  	[sflag:s3] =	ssyncset.done $0x0  }
0x71: {  	s15 =	rddreg [dreg:$0xa];
	[sflag:s3] =	ssyncadd.s32 $0xFFFFC000  }
0x72: {  	[hbm4b:s15+s11] =	stream.linear.scatter [tilespmem:s0], [sflag:$0x3], $0x4000, $0x38;
	[tilespmem:$0x1C200] =	vst v63  }
0x73: {  	_ =	swait.ge [sflag:s3], $0x4000  }
0x74: {  	[sflag:s3] =	ssyncset.done $0x0  }
0x75: {  	[sflag:s3] =	ssyncadd.s32 $0xFFFFC000  }
0x76: {  	[tilespmem:s0], [sflag:$0x3] =	stream.linear.gather [spmem:s17], $0x4000, $0x38;
	[tilespmem:$0x1C200] =	vst v63  }
0x77: {  	_ =	swait.ge [sflag:s3], $0x4000  }
0x78: {  	[sflag:s3] =	ssyncset.done $0x0  }
0x79: {  	s13 =	rddreg [dreg:$0xb];
	[sflag:s3] =	ssyncadd.s32 $0xFFFFC000  }
0x7a: {  	[hbm4b:s13+s11] =	stream.linear.scatter [tilespmem:s0], [sflag:$0x3], $0x4000, $0x38;
	[tilespmem:$0x1C200] =	vst v63  }
0x7b: {  	_ =	swait.ge [sflag:s3], $0x4000  }
0x7c: {  	[sflag:s3] =	ssyncset.done $0x0  }
0x7d: {  	[sflag:s3] =	ssyncadd.s32 $0xFFFFC000  }
0x7e: {  	[tilespmem:s0], [sflag:$0x3] =	stream.linear.gather [hbm4b:s25+s11], $0x4000, $0x38;
	[tilespmem:$0x1C200] =	vst v63  }
0x7f: {  	_ =	swait.ge [sflag:s3], $0x4000  }
0x80: {  	[sflag:s3] =	ssyncset.done $0x0  }
0x81: {  	[sflag:s3] =	ssyncadd.s32 $0xFFFFC000  }
0x82: {  	[spmem:s23] =	stream.linear.scatter [tilespmem:s0], [sflag:$0x3], $0x4000, $0x38;
	[tilespmem:$0x1C200] =	vst v63  }
0x83: {  	_ =	swait.ge [sflag:s3], $0x4000  }
0x84: {  	[sflag:s3] =	ssyncset.done $0x0  }
0x85: {  	[sflag:s3] =	ssyncadd.s32 $0xFFFFC000  }
0x86: {  	[spmem:s29] =	stream.linear.scatter [tilespmem:s0], [sflag:$0x3], $0x4000, $0x38;
	[tilespmem:$0x1C200] =	vst v63  }
0x87: {  	_ =	swait.ge [sflag:s3], $0x4000  }
0x88: {  	[sflag:s3] =	ssyncset.done $0x0  }
0x89: {  	[sflag:s3] =	ssyncadd.s32 $0xFFFFC000  }
0x8a: {  	[spmem:s30] =	stream.linear.scatter [tilespmem:s0], [sflag:$0x3], $0x4000, $0x38;
	[tilespmem:$0x1C200] =	vst v63  }
0x8b: {  	_ =	swait.ge [sflag:s3], $0x4000  }
0x8c: {  	[sflag:s3] =	ssyncset.done $0x0  }
0x8d: {  	[sflag:s3] =	ssyncadd.s32 $0xFFFFC000  }
0x8e: {  	[spmem:s31] =	stream.linear.scatter [tilespmem:s0], [sflag:$0x3], $0x4000, $0x38;
	[tilespmem:$0x1C200] =	vst v63  }
0x8f: {  	_ =	swait.ge [sflag:s3], $0x4000  }
0x90: {  	[sflag:s3] =	ssyncset.done $0x0  }
0x91: {  	[sflag:s3] =	ssyncadd.s32 $0xFFFFC000  }
0x92: {  	[spmem:s17] =	stream.linear.scatter [tilespmem:s0], [sflag:$0x3], $0x4000, $0x38;
	[tilespmem:$0x1C200] =	vst v63  }
0x93: {  	_ =	swait.ge [sflag:s3], $0x4000  }
0x94: {  	[sflag:s3] =	ssyncset.done $0x0  }
0x95: {  	[sflag:s3] =	ssyncadd.s32 $0xFFFFC000  }
0x96: {  	[bflag:$0x0] =	sbarrier.arrive $0xFFFF  }
0x97: {  	s14 =	rddreg [dreg:$0x4]  }
0x98: {  	[tilespmem:s11], [sflag:$0x3] =	stream.linear.gather [hbm4b:s14+s11], $0x80, $0x38;
	[tilespmem:$0x1C200] =	vst v63  }
0x99: {  	_ =	swait.ge [sflag:s3], $0x80  }
0x9a: {  	[sflag:s3] =	ssyncset.done $0x0  }
0x9b: {  	s15 =	rddreg [dreg:$0x5];
	[sflag:s3] =	ssyncadd.s32 $0xFFFFFF80  }
0x9c: {  	[tilespmem:s4], [sflag:$0x3] =	stream.linear.gather [hbm4b:s15+s11], $0x80, $0x38;
	[tilespmem:$0x1C200] =	vst v63  }
0x9d: {  	_ =	swait.ge [sflag:s3], $0x80  }
0x9e: {  	[sflag:s3] =	ssyncset.done $0x0  }
0x9f: {  	[sflag:s3] =	ssyncadd.s32 $0xFFFFFF80  }
0xa0: {  	[tilespmem:s0], [sflag:$0x1] =	stream.indirect.gather [hbm4b:s24+s4], $0x80, s11, s4, $0xb8;
	[tilespmem:$0x1C200] =	vst v63  }
0xa1: {  	s12 =	sadd.s32 $0x0, s22  }
0xa2: {  	[tilespmem:s5], [sflag:$0x3] =	stream.linear.gather [hbm4b:s12+s2], $0x80, $0x38;
	[tilespmem:$0x1C200] =	vst v63  }
0xa3: {  	_ =	swait.ge [sflag:s3], $0x80  }
0xa4: {  	[sflag:s3] =	ssyncset.done $0x0  }
0xa5: {  	s13 =	sadd.s32 $0x0, s21;
	[sflag:s3] =	ssyncadd.s32 $0xFFFFFF80  }
0xa6: {  	[tilespmem:s6], [sflag:$0x3] =	stream.linear.gather [hbm4b:s13+s2], $0x80, $0x38;
	[tilespmem:$0x1C200] =	vst v63  }
0xa7: {  	_ =	swait.ge [sflag:s3], $0x80  }
0xa8: {  	[sflag:s3] =	ssyncset.done $0x0  }
0xa9: {  	[sflag:s3] =	ssyncadd.s32 $0xFFFFFF80  }
0xaa: {  	[tilespmem:s7], [sflag:$0x2] =	stream.indirect.gather [hbm4b:s24+s4], $0x80, s5, s4, $0xb8;
	[tilespmem:$0x1C200] =	vst v63  }
0xab: {  	_ =	swait.ge [sflag:s8], $0x4000  }
0xac: {  	[sflag:s8] =	ssyncset.done $0x0  }
0xad: {  	[sflag:s8] =	ssyncadd.s32 $0xFFFFC000  }
0xae: {  	[spmem:s1] =	stream.indirect.scatter.add.f32 [tilespmem:s0], [sflag:$0x3], $0x80, s4, s4, $0xb8;
	[tilespmem:$0x1C200] =	vst v63  }
0xaf: {  	_ =	swait.ge [sflag:s3], $0x4000  }
0xb0: {  	[sflag:s3] =	ssyncset.done $0x0  }
0xb1: {  	s14 =	sadd.s32 $0x0, s20;
	[sflag:s3] =	ssyncadd.s32 $0xFFFFC000  }
0xb2: {  	[tilespmem:s2], [sflag:$0x3] =	stream.linear.gather [hbm4b:s14+s2], $0x80, $0x38;
	[tilespmem:$0x1C200] =	vst v63  }
0xb3: {  	_ =	swait.ge [sflag:s3], $0x80  }
0xb4: {  	[sflag:s3] =	ssyncset.done $0x0  }
0xb5: {  	s15 =	sadd.s32 $0x0, s19;
	[sflag:s3] =	ssyncadd.s32 $0xFFFFFF80  }
0xb6: {  	[tilespmem:s4], [sflag:$0x3] =	stream.linear.gather [hbm4b:s15+s2], $0x80, $0x38;
	[tilespmem:$0x1C200] =	vst v63  }
0xb7: {  	_ =	swait.ge [sflag:s3], $0x80  }
0xb8: {  	[sflag:s3] =	ssyncset.done $0x0  }
0xb9: {  	[sflag:s3] =	ssyncadd.s32 $0xFFFFFF80  }
0xba: {  	[tilespmem:s0], [sflag:$0x1] =	stream.indirect.gather [hbm4b:s24+s4], $0x80, s2, s4, $0xb8;
	[tilespmem:$0x1C200] =	vst v63  }
0xbb: {  	_ =	swait.ge [sflag:s9], $0x4000  }
0xbc: {  	[sflag:s9] =	ssyncset.done $0x0  }
0xbd: {  	[sflag:s9] =	ssyncadd.s32 $0xFFFFC000  }
0xbe: {  	[spmem:s1] =	stream.indirect.scatter.add.f32 [tilespmem:s7], [sflag:$0x3], $0x80, s6, s4, $0xb8;
	[tilespmem:$0x1C200] =	vst v63  }
0xbf: {  	_ =	swait.ge [sflag:s3], $0x4000  }
0xc0: {  	s11 =	simm.s32 $0x20;
	s12 =	simm.s32 $0x40;
	[sflag:s3] =	ssyncset.done $0x0  }
.LBB2_4:
0xc1: {  	s14 =	sadd.s32 s11, s22  }
0xc2: {  	[sflag:s3] =	ssyncadd.s32 $0xFFFFC000;
	s15 =	smov.u32 s12;
	s13 =	sadd.s32 $0x20, s12  }
0xc3: {  	[tilespmem:s5], [sflag:$0x3] =	stream.linear.gather [hbm4b:s14+s2], $0x80, $0x38;
	[tilespmem:$0x1C200] =	vst v63  }
0xc4: {  	p0 =	sne.s32 s12, $0x4C0;
	_ =	swait.ge [sflag:s3], $0x80  }
0xc5: {  	[sflag:s3] =	ssyncset.done $0x0  }
0xc6: {  	s12 =	sadd.s32 s11, s21;
	[sflag:s3] =	ssyncadd.s32 $0xFFFFFF80  }
0xc7: {  	[tilespmem:s6], [sflag:$0x3] =	stream.linear.gather [hbm4b:s12+s2], $0x80, $0x38;
	[tilespmem:$0x1C200] =	vst v63  }
0xc8: {  	_ =	swait.ge [sflag:s3], $0x80  }
0xc9: {  	[sflag:s3] =	ssyncset.done $0x0  }
0xca: {  	[sflag:s3] =	ssyncadd.s32 $0xFFFFFF80  }
0xcb: {  	[tilespmem:s7], [sflag:$0x2] =	stream.indirect.gather [hbm4b:s24+s4], $0x80, s5, s4, $0xb8;
	[tilespmem:$0x1C200] =	vst v63  }
0xcc: {  	_ =	swait.ge [sflag:s8], $0x4000  }
0xcd: {  	[sflag:s8] =	ssyncset.done $0x0  }
0xce: {  	[sflag:s8] =	ssyncadd.s32 $0xFFFFC000  }
0xcf: {  	[spmem:s1] =	stream.indirect.scatter.add.f32 [tilespmem:s0], [sflag:$0x3], $0x80, s4, s4, $0xb8;
	[tilespmem:$0x1C200] =	vst v63  }
0xd0: {  	_ =	swait.ge [sflag:s3], $0x4000  }
0xd1: {  	[sflag:s3] =	ssyncset.done $0x0  }
0xd2: {  	s12 =	sadd.s32 s11, s20;
	[sflag:s3] =	ssyncadd.s32 $0xFFFFC000  }
0xd3: {  	[tilespmem:s2], [sflag:$0x3] =	stream.linear.gather [hbm4b:s12+s2], $0x80, $0x38;
	[tilespmem:$0x1C200] =	vst v63  }
0xd4: {  	_ =	swait.ge [sflag:s3], $0x80  }
0xd5: {  	[sflag:s3] =	ssyncset.done $0x0  }
0xd6: {  	s12 =	sadd.s32 s11, s19;
	s11 =	smov.u32 s15;
	[sflag:s3] =	ssyncadd.s32 $0xFFFFFF80  }
0xd7: {  	[tilespmem:s4], [sflag:$0x3] =	stream.linear.gather [hbm4b:s12+s2], $0x80, $0x38;
	[tilespmem:$0x1C200] =	vst v63  }
0xd8: {  	_ =	swait.ge [sflag:s3], $0x80  }
0xd9: {  	[sflag:s3] =	ssyncset.done $0x0  }
0xda: {  	[sflag:s3] =	ssyncadd.s32 $0xFFFFFF80  }
0xdb: {  	[tilespmem:s0], [sflag:$0x1] =	stream.indirect.gather [hbm4b:s24+s4], $0x80, s2, s4, $0xb8;
	[tilespmem:$0x1C200] =	vst v63  }
0xdc: {  	_ =	swait.ge [sflag:s9], $0x4000  }
.Ltmp1:
0xdd: {  	[sflag:s9] =	ssyncset.done $0x0;
	(pc) =	sbr.rel @p0 .LBB2_4-.Ltmp1, $4  }
0xde: {  	[sflag:s9] =	ssyncadd.s32 $0xFFFFC000  }
0xdf: {  	[spmem:s1] =	stream.indirect.scatter.add.f32 [tilespmem:s7], [sflag:$0x3], $0x80, s6, s4, $0xb8;
	[tilespmem:$0x1C200] =	vst v63  }
0xe0: {  	_ =	swait.ge [sflag:s3], $0x4000  }
0xe1: {  	s12 =	smov.u32 s13;
	[sflag:s3] =	ssyncset.done $0x0  }
0xe2: {  	s12 =	sadd.s32 s11, s22;
	[sflag:s3] =	ssyncadd.s32 $0xFFFFC000  }
0xe3: {  	[tilespmem:s5], [sflag:$0x3] =	stream.linear.gather [hbm4b:s12+s2], $0x80, $0x38;
	[tilespmem:$0x1C200] =	vst v63  }
0xe4: {  	_ =	swait.ge [sflag:s3], $0x80  }
0xe5: {  	[sflag:s3] =	ssyncset.done $0x0  }
0xe6: {  	s14 =	sadd.s32 s11, s21;
	[sflag:s3] =	ssyncadd.s32 $0xFFFFFF80  }
0xe7: {  	[tilespmem:s6], [sflag:$0x3] =	stream.linear.gather [hbm4b:s14+s2], $0x80, $0x38;
	[tilespmem:$0x1C200] =	vst v63  }
0xe8: {  	_ =	swait.ge [sflag:s3], $0x80  }
0xe9: {  	[sflag:s3] =	ssyncset.done $0x0  }
0xea: {  	[sflag:s3] =	ssyncadd.s32 $0xFFFFFF80  }
0xeb: {  	[tilespmem:s7], [sflag:$0x2] =	stream.indirect.gather [hbm4b:s24+s4], $0x80, s5, s4, $0xb8;
	[tilespmem:$0x1C200] =	vst v63  }
0xec: {  	_ =	swait.ge [sflag:s8], $0x4000  }
0xed: {  	[sflag:s8] =	ssyncset.done $0x0  }
0xee: {  	[sflag:s8] =	ssyncadd.s32 $0xFFFFC000  }
0xef: {  	[spmem:s1] =	stream.indirect.scatter.add.f32 [tilespmem:s0], [sflag:$0x3], $0x80, s4, s4, $0xb8;
	[tilespmem:$0x1C200] =	vst v63  }
0xf0: {  	_ =	swait.ge [sflag:s3], $0x4000  }
0xf1: {  	[sflag:s3] =	ssyncset.done $0x0  }
0xf2: {  	s15 =	sadd.s32 s11, s20;
	[sflag:s3] =	ssyncadd.s32 $0xFFFFC000  }
0xf3: {  	[tilespmem:s2], [sflag:$0x3] =	stream.linear.gather [hbm4b:s15+s2], $0x80, $0x38;
	[tilespmem:$0x1C200] =	vst v63  }
0xf4: {  	_ =	swait.ge [sflag:s3], $0x80  }
0xf5: {  	[sflag:s3] =	ssyncset.done $0x0  }
0xf6: {  	s13 =	sadd.s32 s11, s19;
	[sflag:s3] =	ssyncadd.s32 $0xFFFFFF80  }
0xf7: {  	[tilespmem:s4], [sflag:$0x3] =	stream.linear.gather [hbm4b:s13+s2], $0x80, $0x38;
	[tilespmem:$0x1C200] =	vst v63  }
0xf8: {  	_ =	swait.ge [sflag:s3], $0x80  }
0xf9: {  	[sflag:s3] =	ssyncset.done $0x0  }
0xfa: {  	[sflag:s3] =	ssyncadd.s32 $0xFFFFFF80  }
0xfb: {  	[tilespmem:s0], [sflag:$0x1] =	stream.indirect.gather [hbm4b:s24+s4], $0x80, s2, s4, $0xb8;
	[tilespmem:$0x1C200] =	vst v63  }
0xfc: {  	_ =	swait.ge [sflag:s9], $0x4000  }
0xfd: {  	[sflag:s9] =	ssyncset.done $0x0  }
0xfe: {  	[sflag:s9] =	ssyncadd.s32 $0xFFFFC000  }
0xff: {  	[spmem:s1] =	stream.indirect.scatter.add.f32 [tilespmem:s7], [sflag:$0x3], $0x80, s6, s4, $0xb8;
	[tilespmem:$0x1C200] =	vst v63  }
0x100: {  	_ =	swait.ge [sflag:s3], $0x4000  }
0x101: {  	[sflag:s3] =	ssyncset.done $0x0  }
0x102: {  	s14 =	rddreg [dreg:$0x6];
	[sflag:s3] =	ssyncadd.s32 $0xFFFFC000  }
0x103: {  	[tilespmem:s5], [sflag:$0x3] =	stream.linear.gather [hbm4b:s14+s2], $0x80, $0x38;
	[tilespmem:$0x1C200] =	vst v63  }
0x104: {  	_ =	swait.ge [sflag:s3], $0x80  }
0x105: {  	[sflag:s3] =	ssyncset.done $0x0  }
0x106: {  	s15 =	rddreg [dreg:$0xc];
	[sflag:s3] =	ssyncadd.s32 $0xFFFFFF80  }
0x107: {  	[tilespmem:s6], [sflag:$0x3] =	stream.linear.gather [hbm4b:s15+s2], $0x80, $0x38;
	[tilespmem:$0x1C200] =	vst v63  }
0x108: {  	_ =	swait.ge [sflag:s3], $0x80  }
0x109: {  	[sflag:s3] =	ssyncset.done $0x0  }
0x10a: {  	[sflag:s3] =	ssyncadd.s32 $0xFFFFFF80  }
0x10b: {  	[tilespmem:s7], [sflag:$0x2] =	stream.indirect.gather [hbm4b:s24+s4], $0x80, s5, s4, $0xb8;
	[tilespmem:$0x1C200] =	vst v63  }
0x10c: {  	_ =	swait.ge [sflag:s8], $0x4000  }
0x10d: {  	[sflag:s8] =	ssyncset.done $0x0  }
0x10e: {  	[sflag:s8] =	ssyncadd.s32 $0xFFFFC000  }
0x10f: {  	[spmem:s1] =	stream.indirect.scatter.add.f32 [tilespmem:s0], [sflag:$0x3], $0x80, s4, s4, $0xb8;
	[tilespmem:$0x1C200] =	vst v63  }
0x110: {  	_ =	swait.ge [sflag:s3], $0x4000  }
0x111: {  	[sflag:s3] =	ssyncset.done $0x0  }
0x112: {  	[sflag:s3] =	ssyncadd.s32 $0xFFFFC000  }
0x113: {  	_ =	swait.ge [sflag:s9], $0x4000  }
0x114: {  	[sflag:s9] =	ssyncset.done $0x0  }
0x115: {  	[sflag:s9] =	ssyncadd.s32 $0xFFFFC000  }
0x116: {  	[spmem:s1] =	stream.indirect.scatter.add.f32 [tilespmem:s7], [sflag:$0x3], $0x80, s6, s4, $0xb8;
	[tilespmem:$0x1C200] =	vst v63  }
0x117: {  	_ =	swait.ge [sflag:s3], $0x4000  }
0x118: {  	[sflag:s3] =	ssyncset.done $0x0  }
0x119: {  	[sflag:s3] =	ssyncadd.s32 $0xFFFFC000  }
0x11a: {  	[bflag:$0x0] =	sbarrier.arrive $0xFFFF  }
0x11b: {  	[tilespmem:s0], [sflag:$0x3] =	stream.linear.gather [spmem:s23], $0x4000, $0x38;
	[tilespmem:$0x1C200] =	vst v63  }
0x11c: {  	_ =	swait.ge [sflag:s3], $0x4000  }
0x11d: {  	[sflag:s3] =	ssyncset.done $0x0  }
0x11e: {  	s12 =	rddreg [dreg:$0xd];
	[sflag:s3] =	ssyncadd.s32 $0xFFFFC000  }
0x11f: {  	[hbm4b:s12+s2] =	stream.linear.scatter [tilespmem:s0], [sflag:$0x3], $0x4000, $0x38;
	[tilespmem:$0x1C200] =	vst v63  }
0x120: {  	_ =	swait.ge [sflag:s3], $0x4000  }
0x121: {  	[sflag:s3] =	ssyncset.done $0x0  }
0x122: {  	[sflag:s3] =	ssyncadd.s32 $0xFFFFC000  }
0x123: {  	[tilespmem:s0], [sflag:$0x3] =	stream.linear.gather [spmem:s29], $0x4000, $0x38;
	[tilespmem:$0x1C200] =	vst v63  }
0x124: {  	_ =	swait.ge [sflag:s3], $0x4000  }
0x125: {  	[sflag:s3] =	ssyncset.done $0x0  }
0x126: {  	s13 =	rddreg [dreg:$0xe];
	[sflag:s3] =	ssyncadd.s32 $0xFFFFC000  }
0x127: {  	[hbm4b:s13+s2] =	stream.linear.scatter [tilespmem:s0], [sflag:$0x3], $0x4000, $0x38;
	[tilespmem:$0x1C200] =	vst v63  }
0x128: {  	_ =	swait.ge [sflag:s3], $0x4000  }
0x129: {  	[sflag:s3] =	ssyncset.done $0x0  }
0x12a: {  	[sflag:s3] =	ssyncadd.s32 $0xFFFFC000  }
0x12b: {  	[tilespmem:s0], [sflag:$0x3] =	stream.linear.gather [spmem:s30], $0x4000, $0x38;
	[tilespmem:$0x1C200] =	vst v63  }
0x12c: {  	_ =	swait.ge [sflag:s3], $0x4000  }
0x12d: {  	[sflag:s3] =	ssyncset.done $0x0  }
0x12e: {  	s14 =	rddreg [dreg:$0xf];
	[sflag:s3] =	ssyncadd.s32 $0xFFFFC000  }
0x12f: {  	[hbm4b:s14+s2] =	stream.linear.scatter [tilespmem:s0], [sflag:$0x3], $0x4000, $0x38;
	[tilespmem:$0x1C200] =	vst v63  }
0x130: {  	_ =	swait.ge [sflag:s3], $0x4000  }
0x131: {  	[sflag:s3] =	ssyncset.done $0x0  }
0x132: {  	[sflag:s3] =	ssyncadd.s32 $0xFFFFC000  }
0x133: {  	[tilespmem:s0], [sflag:$0x3] =	stream.linear.gather [spmem:s31], $0x4000, $0x38;
	[tilespmem:$0x1C200] =	vst v63  }
0x134: {  	_ =	swait.ge [sflag:s3], $0x4000  }
0x135: {  	[sflag:s3] =	ssyncset.done $0x0  }
0x136: {  	s15 =	rddreg [dreg:$0x10];
	[sflag:s3] =	ssyncadd.s32 $0xFFFFC000  }
0x137: {  	[hbm4b:s15+s2] =	stream.linear.scatter [tilespmem:s0], [sflag:$0x3], $0x4000, $0x38;
	[tilespmem:$0x1C200] =	vst v63  }
0x138: {  	_ =	swait.ge [sflag:s3], $0x4000  }
0x139: {  	[sflag:s3] =	ssyncset.done $0x0  }
0x13a: {  	[sflag:s3] =	ssyncadd.s32 $0xFFFFC000  }
0x13b: {  	[tilespmem:s0], [sflag:$0x3] =	stream.linear.gather [spmem:s17], $0x4000, $0x38;
	[tilespmem:$0x1C200] =	vst v63  }
0x13c: {  	s10 =	sadd.s32 $0x1, s10;
	_ =	swait.ge [sflag:s3], $0x4000  }
0x13d: {  	p0 =	sne.s32 s10, s28;
	[sflag:s3] =	ssyncset.done $0x0  }
.Ltmp2:
0x13e: {  	[sflag:s3] =	ssyncadd.s32 $0xFFFFC000;
	(pc) =	sbr.rel @p0 .LBB2_1-.Ltmp2, $4  }
0x13f: {  	[hbm4b:s16+s2] =	stream.linear.scatter [tilespmem:s0], [sflag:$0x3], $0x4000, $0x38;
	[tilespmem:$0x1C200] =	vst v63  }
0x140: {  	_ =	swait.ge [sflag:s3], $0x4000  }
0x141: {  	[sflag:s3] =	ssyncset.done $0x0  }
0x142: {  	[sflag:s3] =	ssyncadd.s32 $0xFFFFC000  }
0x143: {  	_ =	sfence.sel $0x180000  }
0x144: {  	[bflag:$0x0] =	sbarrier.arrive $0xFFFF  }
0x145: {  	_ =	strace $0x90000047  }
0x146: {  	s0 =	stileid.u32;
	[bflag:$0x2] =	sbarrier.arrive $0xFFFF  }
0x147: {  	p0 =	sne.s32 s0, $0x0;
	s0 =	rddreg [dreg:$0x3]  }
0x148: {  	s0 =	sadd.s32 @!p0 $0x100000, s0  }
0x149: {  	[sflag:s0] =	ssyncadd.tile.s32 @!p0 $0x1;
	_ =	shalt  }
.Lfunc_end2:
_tile_overlayer_lowered:
.L_overlay_start_2:
0x14a: {  	(tag) =	ssettag $0x2  }
0x14b: {  	s0 =	rddreg [dreg:$0x0];
	s2 =	stileid.u32  }
0x14c: {  	s1 =	rddreg [dreg:$0x1];
	p0 =	sne.s32 s2, $0x0  }
0x14d: {  	s3 =	rddreg [dreg:$0x2];
	[bflag:$0x3] =	sbarrier.arrive $0xFFFF;
	s2 =	simm.s32 @!p0 $0x1C03  }
0x14e: {  	[timem:s3], [sflag:s2] =	dma.local @!p0 [hbm:s0], s1  }
0x14f: {  	s0 =	simm.s32 @!p0 $0x3  }
0x150: {  	_ =	swait.ge @!p0 [sflag:s0], s1  }
0x151: {  	s1 =	ssub.s32 @!p0 $0x0, s1;
	[sflag:s0] =	ssyncset.done @!p0 $0x0  }
0x152: {  	[sflag:s0] =	ssyncadd.s32 @!p0 s1  }
0x153: {  	[bflag:$0x3] =	sbarrier.arrive $0xFFFF  }
0x154: {  	_ =	shalt  }

// kernel: kernel.9.cloned.1.call-start
scs
__scs_entry_jumppad:
0x0: {  	(pc) =	sbr.rel $0x88, $3  }
0x1: {  	(tag) =	ssettag $0x0;
	lr =	simm.s32 $0x1  }
0x2: {  	[smem:$0x3F99] =	sst lr;
	_ =	strace $0xD0000000  }
0x3: {  	_ = 	snop  }
0x4: {  	_ = 	snop  }
0x5: {  	_ = 	snop  }
0x6: {  	_ = 	snop  }
0x7: {  	_ = 	snop  }
__scs_overlays_trampoline_lowered:
0x8: {  	[smem:$0x3FA8] =	sst s0  }
0x9: {  	[smem:$0x3FA9] =	sst s1  }
0xa: {  	[smem:$0x3FAA] =	sst s2  }
0xb: {  	[smem:$0x3FAB] =	sst s3  }
0xc: {  	[smem:$0x3FAC] =	sst s4  }
0xd: {  	[smem:$0x3FAD] =	sst s5  }
0xe: {  	[smem:$0x3FAE] =	sst s6  }
0xf: {  	[smem:$0x3FAF] =	sst s7  }
0x10: {  	[smem:$0x3FB0] =	sst s8  }
0x11: {  	[smem:$0x3FB1] =	sst s9;
	s0 =	simm.s32 @!p0 $0x0  }
0x12: {  	s1 =	sld [smem:$0x3F97];
	s0 =	simm.s32 @p0 $0x1  }
0x13: {  	[smem:$0x3FB2] =	sst s0;
	s0 =	simm.s32 @!p1 $0x0  }
0x14: {  	s2 =	sld [smem:$0x3F96];
	s0 =	simm.s32 @p1 $0x1  }
0x15: {  	[smem:$0x3FB3] =	sst s0;
	s0 =	simm.s32 @!p2 $0x0  }
0x16: {  	s3 =	sld [smem:$0x3FDB];
	s0 =	simm.s32 @p2 $0x1  }
0x17: {  	s4 =	simm.s32 $0x1BF5;
	[smem:$0x3FB5] =	sst s0  }
0x18: {  	s0 =	sld [smem:$0x3F98];
	_ =	swait.ge [sflag:s4], $0x0  }
0x19: {  	s7 =	sld [smem:$0x3F99]  }
0x1a: {  	s8 =	sadd.s32 $0xFFFFE003, lr  }
0x1b: {  	s9 =	sadd.s32 $0xFFFFFEF7, lr;
	s5 =	simm.s32 $0xFFFFFFFF;
	p2 =	slt.u32 s8, $0xFFFFF086  }
0x1c: {  	p1 =	slt.u32 s9, $0xF7A;
	s5 =	simm.s32 @!p2 $0x0  }
0x1d: {  	s5 =	simm.s32 @p1 $0x1;
	p0 =	seq.s32 s7, s2  }
0x1e: {  	s7 =	smul.u32 @!p0 $0xF7A, s2;
	p2 =	seq.s32 @!p0 s5, $0x0  }
0x1f: {  	s9 =	smul.u32 $0xF7A, s1;
	s8 =	simm.s32 @!p0 $0x1BF5;
	p2 =	por !p2, p0  }
0x20: {  	[sflag:s8] =	ssyncset.s32 @!p0 $0xFFFFF086;
	s6 =	sadd.s32 @!p0 s3, s7;
	s7 =	simm.s32 @!p0 $0x108  }
0x21: {  	s3 =	sadd.s32 s3, s9;
	s6 =	sadd.s32 @!p0 $0x88, s6;
	s7 =	simm.s32 @p2 $0x1082  }
0x22: {  	[simem:s7], [sflag:s8] =	dma.local @!p0 [hbm:s6], $0xF7A  }
0x23: {  	s9 =	sor.u32 $0xD0000000, s2;
	s6 =	simm.s32 $0x108;
	_ =	swait.ge @!p0 [sflag:s8], $0x0  }
0x24: {  	s3 =	sadd.s32 $0x88, s3;
	s6 =	simm.s32 @!p1 $0x1082;
	[sflag:s4] =	ssyncset.s32 $0xFFFFF086  }
0x25: {  	[simem:s6], [sflag:s4] =	dma.local [hbm:s3], $0xF7A  }
0x26: {  	[smem:$0x3F99] =	sst s1;
	(tag) =	ssettag s2;
	_ =	strace s9  }
0x27: {  	s1 =	sld [smem:$0x3FA9]  }
0x28: {  	s2 =	sld [smem:$0x3FAA]  }
0x29: {  	s4 =	sld [smem:$0x3FAC]  }
0x2a: {  	p0 =	seq.s32 s5, $0x0;
	s5 =	sld [smem:$0x3FAD]  }
0x2b: {  	s6 =	sld [smem:$0x3FAE]  }
0x2c: {  	s7 =	sld [smem:$0x3FAF]  }
0x2d: {  	s3 =	simm.s32 $0x108;
	s8 =	sld [smem:$0x3FB0]  }
0x2e: {  	s3 =	simm.s32 @!p0 $0x1082;
	s9 =	sld [smem:$0x3FB1]  }
0x2f: {  	lr =	sadd.s32 s0, s3;
	s0 =	sld [smem:$0x3FA8]  }
0x30: {  	s3 =	sld [smem:$0x3FAB]  }
0x31: {  	[smem:$0x3FB4] =	sst s10  }
0x32: {  	s10 =	sld [smem:$0x3FB2];
	_ =	sdelay $0x3  }
0x33: {  	p0 =	seq.s32 s10, $0x1;
	s10 =	sld [smem:$0x3FB4];
	_ =	sdelay $0x3  }
0x34: {  	[smem:$0x3FB4] =	sst s10  }
0x35: {  	s10 =	sld [smem:$0x3FB3];
	_ =	sdelay $0x3  }
0x36: {  	p1 =	seq.s32 s10, $0x1;
	s10 =	sld [smem:$0x3FB4];
	_ =	sdelay $0x3  }
0x37: {  	[smem:$0x3FB4] =	sst s10  }
0x38: {  	s10 =	sld [smem:$0x3FB5]  }
0x39: {  	_ = 	snop;
	(pc) =	sbr.ind lr, $3  }
0x3a: {  	_ = 	snop  }
0x3b: {  	_ = 	snop  }
0x3c: {  	p2 =	seq.s32 s10, $0x1;
	s10 =	sld [smem:$0x3FB4]  }
0x3d: {  	_ =	shalt  }
0x3e: {  	_ =	shalt  }
0x3f: {  	_ =	shalt  }
0x40: {  	_ =	shalt  }
0x41: {  	_ =	shalt  }
0x42: {  	_ =	shalt  }
0x43: {  	_ =	shalt  }
0x44: {  	_ =	shalt  }
0x45: {  	_ =	shalt  }
0x46: {  	_ =	shalt  }
0x47: {  	_ =	shalt  }
0x48: {  	_ =	shalt  }
0x49: {  	_ =	shalt  }
0x4a: {  	_ =	shalt  }
0x4b: {  	_ =	shalt  }
0x4c: {  	_ =	shalt  }
0x4d: {  	_ =	shalt  }
0x4e: {  	_ =	shalt  }
0x4f: {  	_ =	shalt  }
0x50: {  	_ =	shalt  }
0x51: {  	_ =	shalt  }
0x52: {  	_ =	shalt  }
0x53: {  	_ =	shalt  }
0x54: {  	_ =	shalt  }
0x55: {  	_ =	shalt  }
0x56: {  	_ =	shalt  }
0x57: {  	_ =	shalt  }
0x58: {  	_ =	shalt  }
0x59: {  	_ =	shalt  }
0x5a: {  	_ =	shalt  }
0x5b: {  	_ =	shalt  }
0x5c: {  	_ =	shalt  }
0x5d: {  	_ =	shalt  }
0x5e: {  	_ =	shalt  }
0x5f: {  	_ =	shalt  }
0x60: {  	_ =	shalt  }
0x61: {  	_ =	shalt  }
0x62: {  	_ =	shalt  }
0x63: {  	_ =	shalt  }
0x64: {  	_ =	shalt  }
0x65: {  	_ =	shalt  }
0x66: {  	_ =	shalt  }
0x67: {  	_ =	shalt  }
0x68: {  	_ =	shalt  }
0x69: {  	_ =	shalt  }
0x6a: {  	_ =	shalt  }
0x6b: {  	_ =	shalt  }
0x6c: {  	_ =	shalt  }
0x6d: {  	_ =	shalt  }
0x6e: {  	_ =	shalt  }
0x6f: {  	_ =	shalt  }
0x70: {  	_ =	shalt  }
0x71: {  	_ =	shalt  }
0x72: {  	_ =	shalt  }
0x73: {  	_ =	shalt  }
0x74: {  	_ =	shalt  }
0x75: {  	_ =	shalt  }
0x76: {  	_ =	shalt  }
0x77: {  	_ =	shalt  }
0x78: {  	_ =	shalt  }
0x79: {  	_ =	shalt  }
0x7a: {  	_ =	shalt  }
0x7b: {  	_ =	shalt  }
0x7c: {  	_ =	shalt  }
0x7d: {  	_ =	shalt  }
0x7e: {  	_ =	shalt  }
0x7f: {  	_ =	shalt  }
0x80: {  	_ =	shalt  }
0x81: {  	_ =	shalt  }
0x82: {  	_ =	shalt  }
0x83: {  	_ =	shalt  }
0x84: {  	_ =	shalt  }
0x85: {  	_ =	shalt  }
0x86: {  	_ =	shalt  }
0x87: {  	_ =	shalt  }
.Lfunc_end0:
.L_simem_size_0:
called_computation.1_lowered:
.L_overlay_start_0:
0x88: {  	s2 =	sld [smem:$0x3FD9]  }
0x89: {  	s3 =	sld [smem:$0x3FFE];
	_ =	sdelay $0x1  }
0x8a: {  	s1 =	srdreg.scid  }
0x8b: {  	s0 =	sand.u32 $0x1, s1  }
0x8c: {  	s17 =	sshll.u32 s0, $0xA;
	s2 =	sadd.s32 s3, s2  }
0x8d: {  	s2 =	sadd.s32 s2, s17  }
0x8e: {  	[smem:$0x3FC0] =	sst s2  }
0x8f: {  	_ = 	snop  }
0x90: {  	s2 =	sld [smem:$0x3FD0];
	(tm) =	ssettm $0x1  }
0x91: {  	s18 =	sld [smem:$0x3FFB];
	_ =	sdelay $0x3  }
0x92: {  	_ =	strace s18  }
0x93: {  	s3 =	sld [smem:$0x3FFC];
	_ =	sdelay $0x3  }
0x94: {  	_ =	strace s3  }
0x95: {  	s3 =	sld [smem:$0x3FFD];
	_ =	sdelay $0x3  }
0x96: {  	_ =	strace s3  }
0x97: {  	_ =	strace $0x8FFFFFFF  }
0x98: {  	s19 =	sld [smem:$0x3FDB];
	_ =	sdelay $0x1  }
0x99: {  	s4 =	simm.s32 $_scs_section_size  }
0x9a: {  	s5 =	simm.s32 $_size__tile_overlayer_lowered;
	s6 =	simm.s32 $_tile_overlayer_lowered  }
0x9b: {  	s22 =	simm.s32 $0x1BFF;
	s21 =	sshll.u32 s6, $0x1;
	s3 =	sadd.s32 s4, s19  }
0x9c: {  	s7 =	simm.s32 $0x0;
	s20 =	sshll.u32 s5, $0x1;
	s5 =	sadd.s32 s21, s3  }
0x9d: {  	[timem:s7], [sflag:s22] =	dma.local [hbm:s5], s20  }
0x9e: {  	_ =	swait.ge [sflag:s22], s20  }
0x9f: {  	s4 =	ssub.s32 $0x0, s20;
	[sflag:s22] =	ssyncset.done $0x0  }
0xa0: {  	[sflag:s22] =	ssyncadd.s32 s4;
	_ =	sdelay $0x1  }
0xa1: {  	s23 =	simm.s32 $0x1B8B  }
0xa2: {  	_ =	swait.ge [sflag:s23], $0x1  }
0xa3: {  	[sflag:s23] =	ssyncset.done $0x0  }
0xa4: {  	s25 =	simm.s32 $0x1B8E;
	s24 =	sld [smem:$0x3FFE];
	[sflag:s23] =	ssyncadd.s32 $0xFFFFFFFF  }
0xa5: {  	s26 =	simm.s32 $execute0_lowered;
	[smem:$0x3FD2] =	sst s25  }
0xa6: {  	s5 =	sshll.u32 s26, $0x1;
	_ =	strace $0x80000049;
	[dreg:$0x1] =	wrdreg $0xFFFFFFFF  }
0xa7: {  	s28 =	simm.s32 $_size_execute0_lowered;
	s3 =	sadd.s32 s3, s5;
	[dreg:$0x0] =	wrdreg $0x0  }
0xa8: {  	s5 =	sshll.u32 s28, $0x1;
	[dreg:$0x2] =	wrdreg s3  }
0xa9: {  	[dreg:$0x3] =	wrdreg s5  }
0xaa: {  	[dreg:$0x4] =	wrdreg $0xC0  }
0xab: {  	_ =	task [dreg:s7], $0x5FFFF  }
0xac: {  	[dreg:$0x1] =	wrdreg $0xFFFFFFFF  }
0xad: {  	[dreg:$0x0] =	wrdreg $0x60  }
0xae: {  	[dreg:$0x2] =	wrdreg s24  }
0xaf: {  	[dreg:$0x3] =	wrdreg s2  }
0xb0: {  	[dreg:$0x4] =	wrdreg $0x82000  }
0xb1: {  	[dreg:$0x5] =	wrdreg $0x9  }
0xb2: {  	_ =	task.clear_ibuf [dreg:s7], $0x6FFFF;
	_ =	strace $0x90000049  }
0xb3: {  	s29 =	simm.s32 $0x9;
	_ =	strace $0x8000004B  }
0xb4: {  	_ =	swait.ge [sflag:s29], $0x1  }
0xb5: {  	[sflag:s29] =	ssyncadd.s32 $0xFFFFFFFF  }
0xb6: {  	_ =	strace $0x9000004B  }
0xb7: {  	_ =	sfence  }
0xb8: {  	s30 =	sld [smem:$0x0];
	_ =	sdelay $0x2  }
0xb9: {  	s31 =	sshll.u32 s1, $0xD;
	s1 =	sshrl.u32 s1, $0x2  }
0xba: {  	s3 =	sand.u32 $0x4000, s31;
	s1 =	sadd.s32 s1, s30  }
0xbb: {  	s0 =	sor.u32 s3, s0;
	s1 =	sshll.u32 s1, $0x11  }
0xbc: {  	s0 =	sor.u32 s1, s0  }
0xbd: {  	s0 =	sadd.s32 $0x8F2B, s0  }
0xbe: {  	[sflag:s0] =	ssyncadd.remote.s32 $0x1  }
0xbf: {  	_ =	sfence.sel $0xFFFF  }
0xc0: {  	[dreg:$0x0] =	wrdreg $0xFFFFFFFF;
	(pc) =	sbr.abs _section_cstart, $3  }
0xc1: {  	[dreg:$0x1] =	wrdreg $0xFFFFFFFF  }
0xc2: {  	_ =	task.clear_ibuf [dreg:s7], $0x2FFFF;
	_ =	strace $0x9FFFFFFF  }
0xc3: {  	(tm) =	ssettm $0x7FFFFFFF  }
tec
execute0_lowered:
.L_overlay_start_1:
0x0: {  	(tag) =	ssettag $0x1  }
0x1: {  	s0 =	rddreg [dreg:$0x0]  }
0x2: {  	s1 =	rddreg [dreg:$0x1]  }
0x3: {  	s2 =	rddreg [dreg:$0x2];
	s4 =	srdreg.scid  }
0x4: {  	s12 =	stileid.u32;
	s3 =	simm.s32 $0x0;
	s28 =	simm.s32 $0x80  }
0x5: {  	s29 =	simm.s32 $0x100;
	s30 =	simm.s32 $0x180;
	s31 =	simm.s32 $0x4200  }
0x6: {  	s5 =	sand.u32 $0x1, s4;
	s6 =	smul.u32 $0x280, s12;
	[smem:$0x7FF] =	sst s3  }
0x7: {  	s19 =	sshll.u32 s12, $0x1;
	s4 =	sadd.s32 $0xC200, s0;
	s10 =	smul.u32 $0x50000, s12  }
0x8: {  	s9 =	sadd.s32 $0x2200, s0;
	s11 =	sadd.s32 $0x34200, s0;
	s24 =	smul.u32 $0x5000, s12  }
0x9: {  	s7 =	smul.u32 $0x2800, s5;
	_ =	strace $0x8000004A;
	s8 =	sor.u32 s5, s19  }
0xa: {  	[dreg:$0x4] =	wrdreg s11;
	s5 =	ssub.s32 $0x2, s5;
	s8 =	smul.u32 $0x2800, s8  }
0xb: {  	s20 =	sshrl.u32 s5, $0x1;
	s10 =	sshrl.u32 s10, $0x2;
	s6 =	sadd.s32 s7, s6  }
0xc: {  	s5 =	ssub.s32 s5, s20;
	s25 =	sadd.s32 s7, s24;
	s6 =	sshll.u32 s6, $0x4  }
0xd: {  	s8 =	sshrl.u32 s8, $0x3;
	s5 =	smax.u32 s5, $0x1;
	s7 =	sor.u32 $0x100, s25  }
0xe: {  	s0 =	sadd.s32 s6, s0;
	s21 =	sadd.s32 s1, s8;
	[dreg:$0x7] =	wrdreg s5  }
0xf: {  	s6 =	sadd.s32 s10, s2;
	s22 =	sadd.s32 s9, s8;
	[dreg:$0x5] =	wrdreg s21  }
0x10: {  	s23 =	sadd.s32 $0x4F0, s8;
	s7 =	sshrl.u32 s7, $0x3;
	[dreg:$0x6] =	wrdreg s22  }
0x11: {  	s8 =	sadd.s32 s1, s23;
	s11 =	sadd.s32 $0x4000, s6;
	s12 =	sadd.s32 $0x8000, s6  }
0x12: {  	s13 =	sadd.s32 $0xC000, s6;
	s14 =	sadd.s32 $0x10000, s6;
	s5 =	sadd.s32 s9, s23  }
0x13: {  	s16 =	sadd.s32 $0x34A00, s0;
	s17 =	sadd.s32 $0x35200, s0;
	s18 =	sadd.s32 $0x35A00, s0  }
0x14: {  	s19 =	sadd.s32 $0x36200, s0;
	s20 =	sadd.s32 $0x36A00, s0;
	s21 =	sadd.s32 s7, s9  }
0x15: {  	s22 =	sadd.s32 s7, s1;
	[dreg:$0x9] =	wrdreg s5;
	s5 =	sor.u32 $0x80, s25  }
0x16: {  	s0 =	simm.s32 $0x1;
	[dreg:$0x8] =	wrdreg s8;
	s26 =	sshrl.u32 s5, $0x3  }
0x17: {  	s25 =	simm.s32 $0x200;
	s5 =	simm.s32 $0x0;
	s23 =	sadd.s32 s26, s9  }
0x18: {  	s24 =	sadd.s32 s26, s1;
	s26 =	simm.s32 $0x3;
	s1 =	simm.s32 $0x2  }
.LBB2_1:
0x19: {  	s7 =	rddreg [dreg:$0x4]  }
0x1a: {  	[tilespmem:s25], [sflag:$0x3] =	stream.linear.gather [hbm4b:s7+s3], $0x4000, $0x38;
	[tilespmem:$0x1C200] =	vst v63  }
0x1b: {  	_ =	swait.ge [sflag:s26], $0x4000  }
0x1c: {  	[sflag:s26] =	ssyncset.done $0x0  }
0x1d: {  	[sflag:s26] =	ssyncadd.s32 $0xFFFFC000  }
0x1e: {  	[spmem:s6] =	stream.linear.scatter [tilespmem:s25], [sflag:$0x3], $0x4000, $0x38;
	[tilespmem:$0x1C200] =	vst v63  }
0x1f: {  	_ =	swait.ge [sflag:s26], $0x4000  }
0x20: {  	[sflag:s26] =	ssyncset.done $0x0  }
0x21: {  	[sflag:s26] =	ssyncadd.s32 $0xFFFFC000  }
0x22: {  	[spmem:s11] =	stream.linear.scatter [tilespmem:s25], [sflag:$0x3], $0x4000, $0x38;
	[tilespmem:$0x1C200] =	vst v63  }
0x23: {  	_ =	swait.ge [sflag:s26], $0x4000  }
0x24: {  	[sflag:s26] =	ssyncset.done $0x0  }
0x25: {  	[sflag:s26] =	ssyncadd.s32 $0xFFFFC000  }
0x26: {  	[spmem:s12] =	stream.linear.scatter [tilespmem:s25], [sflag:$0x3], $0x4000, $0x38;
	[tilespmem:$0x1C200] =	vst v63  }
0x27: {  	_ =	swait.ge [sflag:s26], $0x4000  }
0x28: {  	[sflag:s26] =	ssyncset.done $0x0  }
0x29: {  	[sflag:s26] =	ssyncadd.s32 $0xFFFFC000  }
0x2a: {  	[spmem:s13] =	stream.linear.scatter [tilespmem:s25], [sflag:$0x3], $0x4000, $0x38;
	[tilespmem:$0x1C200] =	vst v63  }
0x2b: {  	_ =	swait.ge [sflag:s26], $0x4000  }
0x2c: {  	[sflag:s26] =	ssyncset.done $0x0  }
0x2d: {  	[sflag:s26] =	ssyncadd.s32 $0xFFFFC000  }
0x2e: {  	[spmem:s14] =	stream.linear.scatter [tilespmem:s25], [sflag:$0x3], $0x4000, $0x38;
	[tilespmem:$0x1C200] =	vst v63  }
0x2f: {  	_ =	swait.ge [sflag:s26], $0x4000  }
0x30: {  	[sflag:s26] =	ssyncset.done $0x0  }
0x31: {  	[sflag:s26] =	ssyncadd.s32 $0xFFFFC000  }
0x32: {  	[bflag:$0x0] =	sbarrier.arrive $0xFFFF  }
0x33: {  	s10 =	rddreg [dreg:$0x5]  }
0x34: {  	[tilespmem:s3], [sflag:$0x3] =	stream.linear.gather [hbm4b:s10+s3], $0x80, $0x38;
	[tilespmem:$0x1C200] =	vst v63  }
0x35: {  	_ =	swait.ge [sflag:s26], $0x80  }
0x36: {  	[sflag:s26] =	ssyncset.done $0x0  }
0x37: {  	s15 =	rddreg [dreg:$0x6];
	[sflag:s26] =	ssyncadd.s32 $0xFFFFFF80  }
0x38: {  	[tilespmem:s28], [sflag:$0x3] =	stream.linear.gather [hbm4b:s15+s3], $0x80, $0x38;
	[tilespmem:$0x1C200] =	vst v63  }
0x39: {  	_ =	swait.ge [sflag:s26], $0x80  }
0x3a: {  	[sflag:s26] =	ssyncset.done $0x0  }
0x3b: {  	[sflag:s26] =	ssyncadd.s32 $0xFFFFFF80  }
0x3c: {  	[tilespmem:s25], [sflag:$0x1] =	stream.indirect.gather [hbm4b:s4+s28], $0x80, s3, s28, $0xb8;
	[tilespmem:$0x1C200] =	vst v63  }
0x3d: {  	s8 =	sadd.s32 $0x0, s24  }
0x3e: {  	[tilespmem:s29], [sflag:$0x3] =	stream.linear.gather [hbm4b:s8+s3], $0x80, $0x38;
	[tilespmem:$0x1C200] =	vst v63  }
0x3f: {  	_ =	swait.ge [sflag:s26], $0x80  }
0x40: {  	[sflag:s26] =	ssyncset.done $0x0  }
0x41: {  	s9 =	sadd.s32 $0x0, s23;
	[sflag:s26] =	ssyncadd.s32 $0xFFFFFF80  }
0x42: {  	[tilespmem:s30], [sflag:$0x3] =	stream.linear.gather [hbm4b:s9+s3], $0x80, $0x38;
	[tilespmem:$0x1C200] =	vst v63  }
0x43: {  	_ =	swait.ge [sflag:s26], $0x80  }
0x44: {  	[sflag:s26] =	ssyncset.done $0x0  }
0x45: {  	[sflag:s26] =	ssyncadd.s32 $0xFFFFFF80  }
0x46: {  	[tilespmem:s31], [sflag:$0x2] =	stream.indirect.gather [hbm4b:s4+s28], $0x80, s29, s28, $0xb8;
	[tilespmem:$0x1C200] =	vst v63  }
0x47: {  	_ =	swait.ge [sflag:s0], $0x4000  }
0x48: {  	[sflag:s0] =	ssyncset.done $0x0  }
0x49: {  	[sflag:s0] =	ssyncadd.s32 $0xFFFFC000  }
0x4a: {  	[spmem:s2] =	stream.indirect.scatter.add.f32 [tilespmem:s25], [sflag:$0x3], $0x80, s28, s28, $0xb8;
	[tilespmem:$0x1C200] =	vst v63  }
0x4b: {  	_ =	swait.ge [sflag:s26], $0x4000  }
0x4c: {  	[sflag:s26] =	ssyncset.done $0x0  }
0x4d: {  	s10 =	sadd.s32 $0x0, s22;
	[sflag:s26] =	ssyncadd.s32 $0xFFFFC000  }
0x4e: {  	[tilespmem:s3], [sflag:$0x3] =	stream.linear.gather [hbm4b:s10+s3], $0x80, $0x38;
	[tilespmem:$0x1C200] =	vst v63  }
0x4f: {  	_ =	swait.ge [sflag:s26], $0x80  }
0x50: {  	[sflag:s26] =	ssyncset.done $0x0  }
0x51: {  	s15 =	sadd.s32 $0x0, s21;
	[sflag:s26] =	ssyncadd.s32 $0xFFFFFF80  }
0x52: {  	[tilespmem:s28], [sflag:$0x3] =	stream.linear.gather [hbm4b:s15+s3], $0x80, $0x38;
	[tilespmem:$0x1C200] =	vst v63  }
0x53: {  	_ =	swait.ge [sflag:s26], $0x80  }
0x54: {  	[sflag:s26] =	ssyncset.done $0x0  }
0x55: {  	[sflag:s26] =	ssyncadd.s32 $0xFFFFFF80  }
0x56: {  	[tilespmem:s25], [sflag:$0x1] =	stream.indirect.gather [hbm4b:s4+s28], $0x80, s3, s28, $0xb8;
	[tilespmem:$0x1C200] =	vst v63  }
0x57: {  	_ =	swait.ge [sflag:s1], $0x4000  }
0x58: {  	[sflag:s1] =	ssyncset.done $0x0  }
0x59: {  	[sflag:s1] =	ssyncadd.s32 $0xFFFFC000  }
0x5a: {  	[spmem:s2] =	stream.indirect.scatter.add.f32 [tilespmem:s31], [sflag:$0x3], $0x80, s30, s28, $0xb8;
	[tilespmem:$0x1C200] =	vst v63  }
0x5b: {  	_ =	swait.ge [sflag:s26], $0x4000  }
0x5c: {  	s7 =	simm.s32 $0x20;
	s8 =	simm.s32 $0x40;
	[sflag:s26] =	ssyncset.done $0x0  }
.LBB2_2:
0x5d: {  	s10 =	sadd.s32 s7, s24  }
0x5e: {  	[sflag:s26] =	ssyncadd.s32 $0xFFFFC000;
	s15 =	smov.u32 s8;
	s9 =	sadd.s32 $0x20, s8  }
0x5f: {  	[tilespmem:s29], [sflag:$0x3] =	stream.linear.gather [hbm4b:s10+s3], $0x80, $0x38;
	[tilespmem:$0x1C200] =	vst v63  }
0x60: {  	p0 =	sne.s32 s8, $0x4C0;
	_ =	swait.ge [sflag:s26], $0x80  }
0x61: {  	[sflag:s26] =	ssyncset.done $0x0  }
0x62: {  	s8 =	sadd.s32 s7, s23;
	[sflag:s26] =	ssyncadd.s32 $0xFFFFFF80  }
0x63: {  	[tilespmem:s30], [sflag:$0x3] =	stream.linear.gather [hbm4b:s8+s3], $0x80, $0x38;
	[tilespmem:$0x1C200] =	vst v63  }
0x64: {  	_ =	swait.ge [sflag:s26], $0x80  }
0x65: {  	[sflag:s26] =	ssyncset.done $0x0  }
0x66: {  	[sflag:s26] =	ssyncadd.s32 $0xFFFFFF80  }
0x67: {  	[tilespmem:s31], [sflag:$0x2] =	stream.indirect.gather [hbm4b:s4+s28], $0x80, s29, s28, $0xb8;
	[tilespmem:$0x1C200] =	vst v63  }
0x68: {  	_ =	swait.ge [sflag:s0], $0x4000  }
0x69: {  	[sflag:s0] =	ssyncset.done $0x0  }
0x6a: {  	[sflag:s0] =	ssyncadd.s32 $0xFFFFC000  }
0x6b: {  	[spmem:s2] =	stream.indirect.scatter.add.f32 [tilespmem:s25], [sflag:$0x3], $0x80, s28, s28, $0xb8;
	[tilespmem:$0x1C200] =	vst v63  }
0x6c: {  	_ =	swait.ge [sflag:s26], $0x4000  }
0x6d: {  	[sflag:s26] =	ssyncset.done $0x0  }
0x6e: {  	s8 =	sadd.s32 s7, s22;
	[sflag:s26] =	ssyncadd.s32 $0xFFFFC000  }
0x6f: {  	[tilespmem:s3], [sflag:$0x3] =	stream.linear.gather [hbm4b:s8+s3], $0x80, $0x38;
	[tilespmem:$0x1C200] =	vst v63  }
0x70: {  	_ =	swait.ge [sflag:s26], $0x80  }
0x71: {  	[sflag:s26] =	ssyncset.done $0x0  }
0x72: {  	s8 =	sadd.s32 s7, s21;
	s7 =	smov.u32 s15;
	[sflag:s26] =	ssyncadd.s32 $0xFFFFFF80  }
0x73: {  	[tilespmem:s28], [sflag:$0x3] =	stream.linear.gather [hbm4b:s8+s3], $0x80, $0x38;
	[tilespmem:$0x1C200] =	vst v63  }
0x74: {  	_ =	swait.ge [sflag:s26], $0x80  }
0x75: {  	[sflag:s26] =	ssyncset.done $0x0  }
0x76: {  	[sflag:s26] =	ssyncadd.s32 $0xFFFFFF80  }
0x77: {  	[tilespmem:s25], [sflag:$0x1] =	stream.indirect.gather [hbm4b:s4+s28], $0x80, s3, s28, $0xb8;
	[tilespmem:$0x1C200] =	vst v63  }
0x78: {  	_ =	swait.ge [sflag:s1], $0x4000  }
.Ltmp0:
0x79: {  	[sflag:s1] =	ssyncset.done $0x0;
	(pc) =	sbr.rel @p0 .LBB2_2-.Ltmp0, $4  }
0x7a: {  	[sflag:s1] =	ssyncadd.s32 $0xFFFFC000  }
0x7b: {  	[spmem:s2] =	stream.indirect.scatter.add.f32 [tilespmem:s31], [sflag:$0x3], $0x80, s30, s28, $0xb8;
	[tilespmem:$0x1C200] =	vst v63  }
0x7c: {  	_ =	swait.ge [sflag:s26], $0x4000  }
0x7d: {  	s8 =	smov.u32 s9;
	[sflag:s26] =	ssyncset.done $0x0  }
0x7e: {  	s8 =	sadd.s32 s7, s24;
	[sflag:s26] =	ssyncadd.s32 $0xFFFFC000  }
0x7f: {  	[tilespmem:s29], [sflag:$0x3] =	stream.linear.gather [hbm4b:s8+s3], $0x80, $0x38;
	[tilespmem:$0x1C200] =	vst v63  }
0x80: {  	_ =	swait.ge [sflag:s26], $0x80  }
0x81: {  	[sflag:s26] =	ssyncset.done $0x0  }
0x82: {  	s10 =	sadd.s32 s7, s23;
	[sflag:s26] =	ssyncadd.s32 $0xFFFFFF80  }
0x83: {  	[tilespmem:s30], [sflag:$0x3] =	stream.linear.gather [hbm4b:s10+s3], $0x80, $0x38;
	[tilespmem:$0x1C200] =	vst v63  }
0x84: {  	_ =	swait.ge [sflag:s26], $0x80  }
0x85: {  	[sflag:s26] =	ssyncset.done $0x0  }
0x86: {  	[sflag:s26] =	ssyncadd.s32 $0xFFFFFF80  }
0x87: {  	[tilespmem:s31], [sflag:$0x2] =	stream.indirect.gather [hbm4b:s4+s28], $0x80, s29, s28, $0xb8;
	[tilespmem:$0x1C200] =	vst v63  }
0x88: {  	_ =	swait.ge [sflag:s0], $0x4000  }
0x89: {  	[sflag:s0] =	ssyncset.done $0x0  }
0x8a: {  	[sflag:s0] =	ssyncadd.s32 $0xFFFFC000  }
0x8b: {  	[spmem:s2] =	stream.indirect.scatter.add.f32 [tilespmem:s25], [sflag:$0x3], $0x80, s28, s28, $0xb8;
	[tilespmem:$0x1C200] =	vst v63  }
0x8c: {  	_ =	swait.ge [sflag:s26], $0x4000  }
0x8d: {  	[sflag:s26] =	ssyncset.done $0x0  }
0x8e: {  	s15 =	sadd.s32 s7, s22;
	[sflag:s26] =	ssyncadd.s32 $0xFFFFC000  }
0x8f: {  	[tilespmem:s3], [sflag:$0x3] =	stream.linear.gather [hbm4b:s15+s3], $0x80, $0x38;
	[tilespmem:$0x1C200] =	vst v63  }
0x90: {  	_ =	swait.ge [sflag:s26], $0x80  }
0x91: {  	[sflag:s26] =	ssyncset.done $0x0  }
0x92: {  	s8 =	sadd.s32 s7, s21;
	[sflag:s26] =	ssyncadd.s32 $0xFFFFFF80  }
0x93: {  	[tilespmem:s28], [sflag:$0x3] =	stream.linear.gather [hbm4b:s8+s3], $0x80, $0x38;
	[tilespmem:$0x1C200] =	vst v63  }
0x94: {  	_ =	swait.ge [sflag:s26], $0x80  }
0x95: {  	[sflag:s26] =	ssyncset.done $0x0  }
0x96: {  	[sflag:s26] =	ssyncadd.s32 $0xFFFFFF80  }
0x97: {  	[tilespmem:s25], [sflag:$0x1] =	stream.indirect.gather [hbm4b:s4+s28], $0x80, s3, s28, $0xb8;
	[tilespmem:$0x1C200] =	vst v63  }
0x98: {  	_ =	swait.ge [sflag:s1], $0x4000  }
0x99: {  	[sflag:s1] =	ssyncset.done $0x0  }
0x9a: {  	[sflag:s1] =	ssyncadd.s32 $0xFFFFC000  }
0x9b: {  	[spmem:s2] =	stream.indirect.scatter.add.f32 [tilespmem:s31], [sflag:$0x3], $0x80, s30, s28, $0xb8;
	[tilespmem:$0x1C200] =	vst v63  }
0x9c: {  	_ =	swait.ge [sflag:s26], $0x4000  }
0x9d: {  	[sflag:s26] =	ssyncset.done $0x0  }
0x9e: {  	s9 =	rddreg [dreg:$0x8];
	[sflag:s26] =	ssyncadd.s32 $0xFFFFC000  }
0x9f: {  	[tilespmem:s29], [sflag:$0x3] =	stream.linear.gather [hbm4b:s9+s3], $0x80, $0x38;
	[tilespmem:$0x1C200] =	vst v63  }
0xa0: {  	_ =	swait.ge [sflag:s26], $0x80  }
0xa1: {  	[sflag:s26] =	ssyncset.done $0x0  }
0xa2: {  	s10 =	rddreg [dreg:$0x9];
	[sflag:s26] =	ssyncadd.s32 $0xFFFFFF80  }
0xa3: {  	[tilespmem:s30], [sflag:$0x3] =	stream.linear.gather [hbm4b:s10+s3], $0x80, $0x38;
	[tilespmem:$0x1C200] =	vst v63  }
0xa4: {  	_ =	swait.ge [sflag:s26], $0x80  }
0xa5: {  	[sflag:s26] =	ssyncset.done $0x0  }
0xa6: {  	[sflag:s26] =	ssyncadd.s32 $0xFFFFFF80  }
0xa7: {  	[tilespmem:s31], [sflag:$0x2] =	stream.indirect.gather [hbm4b:s4+s28], $0x80, s29, s28, $0xb8;
	[tilespmem:$0x1C200] =	vst v63  }
0xa8: {  	_ =	swait.ge [sflag:s0], $0x4000  }
0xa9: {  	[sflag:s0] =	ssyncset.done $0x0  }
0xaa: {  	[sflag:s0] =	ssyncadd.s32 $0xFFFFC000  }
0xab: {  	[spmem:s2] =	stream.indirect.scatter.add.f32 [tilespmem:s25], [sflag:$0x3], $0x80, s28, s28, $0xb8;
	[tilespmem:$0x1C200] =	vst v63  }
0xac: {  	_ =	swait.ge [sflag:s26], $0x4000  }
0xad: {  	[sflag:s26] =	ssyncset.done $0x0  }
0xae: {  	[sflag:s26] =	ssyncadd.s32 $0xFFFFC000  }
0xaf: {  	_ =	swait.ge [sflag:s1], $0x4000  }
0xb0: {  	[sflag:s1] =	ssyncset.done $0x0  }
0xb1: {  	[sflag:s1] =	ssyncadd.s32 $0xFFFFC000  }
0xb2: {  	[spmem:s2] =	stream.indirect.scatter.add.f32 [tilespmem:s31], [sflag:$0x3], $0x80, s30, s28, $0xb8;
	[tilespmem:$0x1C200] =	vst v63  }
0xb3: {  	_ =	swait.ge [sflag:s26], $0x4000  }
0xb4: {  	[sflag:s26] =	ssyncset.done $0x0  }
0xb5: {  	[sflag:s26] =	ssyncadd.s32 $0xFFFFC000  }
0xb6: {  	[bflag:$0x0] =	sbarrier.arrive $0xFFFF  }
0xb7: {  	[tilespmem:s25], [sflag:$0x3] =	stream.linear.gather [spmem:s6], $0x4000, $0x38;
	[tilespmem:$0x1C200] =	vst v63  }
0xb8: {  	_ =	swait.ge [sflag:s26], $0x4000  }
0xb9: {  	[sflag:s26] =	ssyncset.done $0x0  }
0xba: {  	[sflag:s26] =	ssyncadd.s32 $0xFFFFC000  }
0xbb: {  	[hbm4b:s16+s3] =	stream.linear.scatter [tilespmem:s25], [sflag:$0x3], $0x4000, $0x38;
	[tilespmem:$0x1C200] =	vst v63  }
0xbc: {  	_ =	swait.ge [sflag:s26], $0x4000  }
0xbd: {  	[sflag:s26] =	ssyncset.done $0x0  }
0xbe: {  	[sflag:s26] =	ssyncadd.s32 $0xFFFFC000  }
0xbf: {  	[tilespmem:s25], [sflag:$0x3] =	stream.linear.gather [spmem:s11], $0x4000, $0x38;
	[tilespmem:$0x1C200] =	vst v63  }
0xc0: {  	_ =	swait.ge [sflag:s26], $0x4000  }
0xc1: {  	[sflag:s26] =	ssyncset.done $0x0  }
0xc2: {  	[sflag:s26] =	ssyncadd.s32 $0xFFFFC000  }
0xc3: {  	[hbm4b:s17+s3] =	stream.linear.scatter [tilespmem:s25], [sflag:$0x3], $0x4000, $0x38;
	[tilespmem:$0x1C200] =	vst v63  }
0xc4: {  	_ =	swait.ge [sflag:s26], $0x4000  }
0xc5: {  	[sflag:s26] =	ssyncset.done $0x0  }
0xc6: {  	[sflag:s26] =	ssyncadd.s32 $0xFFFFC000  }
0xc7: {  	[tilespmem:s25], [sflag:$0x3] =	stream.linear.gather [spmem:s12], $0x4000, $0x38;
	[tilespmem:$0x1C200] =	vst v63  }
0xc8: {  	_ =	swait.ge [sflag:s26], $0x4000  }
0xc9: {  	[sflag:s26] =	ssyncset.done $0x0  }
0xca: {  	[sflag:s26] =	ssyncadd.s32 $0xFFFFC000  }
0xcb: {  	[hbm4b:s18+s3] =	stream.linear.scatter [tilespmem:s25], [sflag:$0x3], $0x4000, $0x38;
	[tilespmem:$0x1C200] =	vst v63  }
0xcc: {  	_ =	swait.ge [sflag:s26], $0x4000  }
0xcd: {  	[sflag:s26] =	ssyncset.done $0x0  }
0xce: {  	[sflag:s26] =	ssyncadd.s32 $0xFFFFC000  }
0xcf: {  	[tilespmem:s25], [sflag:$0x3] =	stream.linear.gather [spmem:s13], $0x4000, $0x38;
	[tilespmem:$0x1C200] =	vst v63  }
0xd0: {  	_ =	swait.ge [sflag:s26], $0x4000  }
0xd1: {  	[sflag:s26] =	ssyncset.done $0x0  }
0xd2: {  	[sflag:s26] =	ssyncadd.s32 $0xFFFFC000  }
0xd3: {  	[hbm4b:s19+s3] =	stream.linear.scatter [tilespmem:s25], [sflag:$0x3], $0x4000, $0x38;
	[tilespmem:$0x1C200] =	vst v63  }
0xd4: {  	_ =	swait.ge [sflag:s26], $0x4000  }
0xd5: {  	[sflag:s26] =	ssyncset.done $0x0  }
0xd6: {  	[sflag:s26] =	ssyncadd.s32 $0xFFFFC000  }
0xd7: {  	[tilespmem:s25], [sflag:$0x3] =	stream.linear.gather [spmem:s14], $0x4000, $0x38;
	[tilespmem:$0x1C200] =	vst v63  }
0xd8: {  	_ =	swait.ge [sflag:s26], $0x4000  }
0xd9: {  	[sflag:s26] =	ssyncset.done $0x0  }
0xda: {  	[sflag:s26] =	ssyncadd.s32 $0xFFFFC000  }
0xdb: {  	[hbm4b:s20+s3] =	stream.linear.scatter [tilespmem:s25], [sflag:$0x3], $0x4000, $0x38;
	[tilespmem:$0x1C200] =	vst v63  }
0xdc: {  	_ =	swait.ge [sflag:s26], $0x4000  }
0xdd: {  	s5 =	sadd.s32 $0x1, s5;
	s15 =	rddreg [dreg:$0x7]  }
0xde: {  	p0 =	sne.s32 s5, s15  }
.Ltmp1:
0xdf: {  	_ = 	snop;
	(pc) =	sbr.rel @p0 .LBB2_1-.Ltmp1, $3  }
0xe0: {  	_ =	sdelay $0x1  }
0xe1: {  	[sflag:s26] =	ssyncset.done $0x0  }
0xe2: {  	[sflag:s26] =	ssyncadd.s32 $0xFFFFC000  }
0xe3: {  	_ =	sfence.sel $0x180000  }
0xe4: {  	[bflag:$0x0] =	sbarrier.arrive $0xFFFF  }
0xe5: {  	_ =	strace $0x9000004A  }
0xe6: {  	s0 =	stileid.u32;
	[bflag:$0x2] =	sbarrier.arrive $0xFFFF  }
0xe7: {  	p0 =	sne.s32 s0, $0x0;
	s0 =	rddreg [dreg:$0x3]  }
0xe8: {  	s0 =	sadd.s32 @!p0 $0x100000, s0  }
0xe9: {  	[sflag:s0] =	ssyncadd.tile.s32 @!p0 $0x1;
	_ =	shalt  }
.Lfunc_end2:
_tile_overlayer_lowered:
.L_overlay_start_2:
0xea: {  	(tag) =	ssettag $0x2  }
0xeb: {  	s0 =	rddreg [dreg:$0x0];
	s2 =	stileid.u32  }
0xec: {  	s1 =	rddreg [dreg:$0x1];
	p0 =	sne.s32 s2, $0x0  }
0xed: {  	s3 =	rddreg [dreg:$0x2];
	[bflag:$0x3] =	sbarrier.arrive $0xFFFF;
	s2 =	simm.s32 @!p0 $0x1C03  }
0xee: {  	[timem:s3], [sflag:s2] =	dma.local @!p0 [hbm:s0], s1  }
0xef: {  	s0 =	simm.s32 @!p0 $0x3  }
0xf0: {  	_ =	swait.ge @!p0 [sflag:s0], s1  }
0xf1: {  	s1 =	ssub.s32 @!p0 $0x0, s1;
	[sflag:s0] =	ssyncset.done @!p0 $0x0  }
0xf2: {  	[sflag:s0] =	ssyncadd.s32 @!p0 s1  }
0xf3: {  	[bflag:$0x3] =	sbarrier.arrive $0xFFFF  }
0xf4: {  	_ =	shalt  }

</sc_bundles>
